<compile_context>
chip_gen: v7x
topology: tpu7x:2x2x1
jax: 0.10.2.dev20260603
libtpu: 0.0.44.dev20260713+nightly
codegen_flags: <defaults>
</compile_context>

<pallas_src>
import jax
import jax.numpy as jnp
import numpy as np
from jax import lax
from jax.experimental import pallas as pl
from jax.experimental.pallas import tpu as pltpu

N_RAYS = 2048
N_STEPS = 16
N_SAMPLES = 64
NEAR = 0.0
FAR = 1.0
TWO_PI = np.float32(2.0 * np.pi)
TCHUNK = 512
BIG = 2 ** 30


def _bdot3(ax, ay, az, bx, by, bz):
    return (ax * bx + ay * by) + az * bz


def _tables(r0, m0, pos, tetra, tetra_face, face_vertex, face_tetra):
    num_tetra = tetra.shape[1]
    n_index = -0.1 * jnp.sqrt(jnp.sum(pos * pos, axis=1)) + 1.1
    feat = jnp.concatenate([pos, n_index[:, None]], axis=1)
    fg = feat[tetra]
    v0 = fg[0, :, 0:3]
    v1 = fg[1, :, 0:3]
    v2 = fg[2, :, 0:3]
    v3 = fg[3, :, 0:3]
    e1 = v1 - v0
    e2 = v2 - v0
    e3 = v3 - v0
    c11 = e2[:, 1] * e3[:, 2] - e3[:, 1] * e2[:, 2]
    c12 = e3[:, 0] * e2[:, 2] - e2[:, 0] * e3[:, 2]
    c13 = e2[:, 0] * e3[:, 1] - e3[:, 0] * e2[:, 1]
    c21 = e3[:, 1] * e1[:, 2] - e1[:, 1] * e3[:, 2]
    c22 = e1[:, 0] * e3[:, 2] - e3[:, 0] * e1[:, 2]
    c23 = e3[:, 0] * e1[:, 1] - e1[:, 0] * e3[:, 1]
    c31 = e1[:, 1] * e2[:, 2] - e2[:, 1] * e1[:, 2]
    c32 = e2[:, 0] * e1[:, 2] - e1[:, 0] * e2[:, 2]
    c33 = e1[:, 0] * e2[:, 1] - e2[:, 0] * e1[:, 1]
    det = e1[:, 0] * c11 + e2[:, 0] * c21 + e3[:, 0] * c31
    inv_det = 1.0 / det
    ort = (jnp.stack([c11, c12, c13, c21, c22, c23, c31, c32, c33], axis=1)
           * inv_det[:, None]).reshape(num_tetra, 3, 3)
    nn0 = fg[0, :, 3]
    dn = jnp.stack([fg[1, :, 3] - nn0, fg[2, :, 3] - nn0,
                    fg[3, :, 3] - nn0], axis=1)
    b_all = jnp.einsum('tij,ti->tj', ort, dn)
    a_all = nn0 - jnp.sum(b_all * v0, axis=1)
    bn = jnp.sqrt(jnp.sum(b_all * b_all, axis=1))
    n_all = b_all / bn[:, None]
    anb = a_all / bn
    cvec = jnp.einsum('tij,tj->ti', ort, v0)
    loc = jnp.concatenate([ort.reshape(num_tetra, 9), cvec], axis=1)
    pvf = pos[face_vertex]
    i_ = pvf[:, 0]
    j_ = pvf[:, 1]
    k_ = pvf[:, 2]
    ML0 = (j_[:, 1] - i_[:, 1]) * (k_[:, 2] - i_[:, 2]) - (k_[:, 1] - i_[:, 1]) * (j_[:, 2] - i_[:, 2])
    ML1 = (j_[:, 2] - i_[:, 2]) * (k_[:, 0] - i_[:, 0]) - (k_[:, 2] - i_[:, 2]) * (j_[:, 0] - i_[:, 0])
    ML2 = (j_[:, 0] - i_[:, 0]) * (k_[:, 1] - i_[:, 1]) - (k_[:, 0] - i_[:, 0]) * (j_[:, 1] - i_[:, 1])
    ML = jnp.stack([ML0, ML1, ML2], axis=1)
    QL = -jnp.sum(i_ * ML, axis=1)
    mq = jnp.concatenate([ML, QL[:, None]], axis=1)[tetra_face]
    MLt = jnp.transpose(mq[:, :, 0:3], (0, 2, 1)).reshape(num_tetra, 12)
    QLt = mq[:, :, 3]
    ft = face_tetra[tetra_face]
    t_ids = jnp.arange(num_tetra, dtype=ft.dtype)[:, None]
    sel = jnp.argmax(ft != t_ids[..., None], axis=2)
    nxt = jnp.take_along_axis(ft, sel[..., None], axis=2)[..., 0]
    ft0 = ft[:, :, 0]
    tab = jnp.concatenate(
        [n_all, anb[:, None], MLt, QLt,
         nxt.astype(jnp.float32), ft0.astype(jnp.float32)], axis=1)
    tab = jnp.where(jnp.isfinite(tab), tab, 0.0)
    return loc, tab.T


def _body(rT_ref, mT_ref, loc_ref, tab_ref, z_ref, out_ref,
          dd_ref, rx_ref, ry_ref, rz_ref):
    T = loc_ref.shape[0]
    n_chunks = T // TCHUNK
    rx = rT_ref[0:1, :]
    ry = rT_ref[1:2, :]
    rz = rT_ref[2:3, :]

    def loc_step(c, acc):
        ch = loc_ref[pl.ds(c * TCHUNK, TCHUNK), :]
        np0 = _bdot3(ch[:, 0:1], ch[:, 1:2], ch[:, 2:3], rx, ry, rz) - ch[:, 9:10]
        np1 = _bdot3(ch[:, 3:4], ch[:, 4:5], ch[:, 5:6], rx, ry, rz) - ch[:, 10:11]
        np2 = _bdot3(ch[:, 6:7], ch[:, 7:8], ch[:, 8:9], rx, ry, rz) - ch[:, 11:12]
        s = (np0 + np1) + np2
        val = ((np0 >= 0.0) & (np1 >= 0.0) & (np2 >= 0.0)
               & (np0 <= 1.0) & (np1 <= 1.0) & (np2 <= 1.0) & (s <= 1.0))
        tids = lax.broadcasted_iota(jnp.int32, val.shape, 0) + c * TCHUNK
        cand = jnp.min(jnp.where(val, tids, BIG), axis=0, keepdims=True)
        return jnp.minimum(acc, cand)

    acc0 = jnp.full((1, N_RAYS), BIG, jnp.int32)
    hit = lax.fori_loop(0, n_chunks, loc_step, acc0)
    idx0 = jnp.where(hit >= BIG, jnp.int32(-1), hit)

    dd_ref[0:1, :] = jnp.zeros((1, N_RAYS), jnp.float32)
    rx_ref[0:1, :] = rx
    ry_ref[0:1, :] = ry
    rz_ref[0:1, :] = rz

    def step(k, carry):
        idx, px, py, pz, mx, my, mz, dcum = carry
        wrapped = jnp.where(idx < 0, idx + T, idx)

        def gat(c, acc):
            oh = (lax.broadcasted_iota(jnp.int32, (TCHUNK, N_RAYS), 0)
                  + c * TCHUNK == wrapped).astype(jnp.float32)
            part = lax.dot_general(
                tab_ref[:, pl.ds(c * TCHUNK, TCHUNK)], oh,
                (((1,), (0,)), ((), ())),
                preferred_element_type=jnp.float32)
            return acc + part

        g = lax.fori_loop(0, n_chunks, gat, jnp.zeros((28, N_RAYS), jnp.float32))
        nx = g[0:1, :]
        ny = g[1:2, :]
        nz = g[2:3, :]
        anb = g[3:4, :]
        mnx = my * nz - mz * ny
        mny = mz * nx - mx * nz
        mnz = mx * ny - my * nx
        mg = jnp.sqrt(_bdot3(mnx, mny, mnz, mnx, mny, mnz))
        qx = mnx / mg
        qy = mny / mg
        qz = mnz / mg
        nqx = ny * qz - nz * qy
        nqy = nz * qx - nx * qz
        nqz = nx * qy - ny * qx
        mn_dot = _bdot3(mx, my, mz, nx, ny, nz)
        mnq = _bdot3(mx, my, mz, nqx, nqy, nqz)
        coef = _bdot3(px, py, pz, nx, ny, nz) + anb
        rcx = px - coef * (nx - mn_dot * nqx / mnq)
        rcy = py - coef * (ny - mn_dot * nqy / mnq)
        rcz = pz - coef * (nz - mn_dot * nqz / mnq)
        Rx = rcx - px
        Ry = rcy - py
        Rz = rcz - pz
        Rn = jnp.sqrt(_bdot3(Rx, Ry, Rz, Rx, Ry, Rz))

        mlx = g[4:8, :]
        mly = g[8:12, :]
        mlz = g[12:16, :]
        ql = g[16:20, :]
        c1 = -_bdot3(mlx, mly, mlz, Rx, Ry, Rz)
        c2 = Rn * _bdot3(mlx, mly, mlz, mx, my, mz)
        c3 = _bdot3(mlx, mly, mlz, rcx, rcy, rcz) + ql
        disc = jnp.sqrt((c1 * c1 + c2 * c2) - c3 * c3)
        den = c1 - c3
        u = jnp.concatenate([(c2 + disc) / den, (c2 - disc) / den], axis=0)
        phi = jnp.mod(2.0 * lax.atan2(u, jnp.ones_like(u)), TWO_PI)
        phif = jnp.minimum(phi[0:4, :], phi[4:8, :])
        phif = jnp.where(jnp.isnan(phif), jnp.float32(10.0), phif)
        best = jnp.min(phif, axis=0, keepdims=True)
        fio = lax.broadcasted_iota(jnp.int32, (4, N_RAYS), 0)
        bidx = jnp.min(jnp.where(phif == best, fio, jnp.int32(4)),
                       axis=0, keepdims=True)
        phiE = best + best / 100.0
        cph = jnp.cos(phiE)
        sph = jnp.sin(phiE)
        rex = rcx - cph * Rx + Rn * sph * mx
        rey = rcy - cph * Ry + Rn * sph * my
        rez = rcz - cph * Rz + Rn * sph * mz
        mex = cph * mx + sph / Rn * Rx
        mey = cph * my + sph / Rn * Ry
        mez = cph * mz + sph / Rn * Rz
        oh4 = (fio == bidx).astype(jnp.float32)
        nxtf = jnp.sum(oh4 * g[20:24, :], axis=0, keepdims=True)
        ft0f = jnp.sum(oh4 * g[24:28, :], axis=0, keepdims=True)
        nxt = jnp.where(idx < 0, ft0f, nxtf).astype(jnp.int32)
        dx = px - rex
        dy = py - rey
        dz = pz - rez
        dist = jnp.sqrt(_bdot3(dx, dy, dz, dx, dy, dz))
        dnew = dcum + dist
        dd_ref[pl.ds(k + 1, 1), :] = dnew
        rx_ref[pl.ds(k + 1, 1), :] = rex
        ry_ref[pl.ds(k + 1, 1), :] = rey
        rz_ref[pl.ds(k + 1, 1), :] = rez
        return (nxt, rex, rey, rez, mex, mey, mez, dnew)

    mT = mT_ref[...]
    lax.fori_loop(
        0, N_STEPS, step,
        (idx0, rx, ry, rz, mT[0:1, :], mT[1:2, :], mT[2:3, :],
         jnp.zeros((1, N_RAYS), jnp.float32)))

    z = z_ref[...]
    cnt = jnp.zeros((N_SAMPLES, N_RAYS), jnp.int32)
    for k in range(N_STEPS + 1):
        cnt = cnt + (dd_ref[k:k + 1, :] <= z).astype(jnp.int32)
    sidx = jnp.clip(cnt - 1, 0, N_STEPS - 1)
    d0 = jnp.zeros((N_SAMPLES, N_RAYS), jnp.float32)
    d1 = jnp.zeros_like(d0)
    x0 = jnp.zeros_like(d0)
    x1 = jnp.zeros_like(d0)
    y0 = jnp.zeros_like(d0)
    y1 = jnp.zeros_like(d0)
    z0 = jnp.zeros_like(d0)
    z1 = jnp.zeros_like(d0)
    for k in range(N_STEPS):
        msk = (sidx == k).astype(jnp.float32)
        d0 = d0 + msk * dd_ref[k:k + 1, :]
        d1 = d1 + msk * dd_ref[k + 1:k + 2, :]
        x0 = x0 + msk * rx_ref[k:k + 1, :]
        x1 = x1 + msk * rx_ref[k + 1:k + 2, :]
        y0 = y0 + msk * ry_ref[k:k + 1, :]
        y1 = y1 + msk * ry_ref[k + 1:k + 2, :]
        z0 = z0 + msk * rz_ref[k:k + 1, :]
        z1 = z1 + msk * rz_ref[k + 1:k + 2, :]
    delta = d1 - d0
    denom = jnp.where(jnp.abs(delta) > 1e-12, delta, jnp.float32(1.0))
    frac = (z - d0) / denom
    out_ref[0, :, :] = x0 + frac * (x1 - x0)
    out_ref[1, :, :] = y0 + frac * (y1 - y0)
    out_ref[2, :, :] = z0 + frac * (z1 - z0)


def kernel(r0, m0, pos, tetra, tetra_face, face_vertex, face_tetra):
    loc, tabT = _tables(r0, m0, pos, tetra, tetra_face, face_vertex,
                        face_tetra)
    t_vals = jnp.linspace(0.1, 1.0, N_SAMPLES).astype(r0.dtype)
    z = (NEAR * (1.0 - t_vals) + FAR * t_vals)[:, None]
    out = pl.pallas_call(
        _body,
        out_shape=jax.ShapeDtypeStruct((3, N_SAMPLES, N_RAYS), jnp.float32),
        scratch_shapes=[
            pltpu.VMEM((N_STEPS + 8, N_RAYS), jnp.float32),
            pltpu.VMEM((N_STEPS + 8, N_RAYS), jnp.float32),
            pltpu.VMEM((N_STEPS + 8, N_RAYS), jnp.float32),
            pltpu.VMEM((N_STEPS + 8, N_RAYS), jnp.float32),
        ],
    )(r0.T, m0.T, loc, tabT, z)
    return jnp.transpose(out, (2, 1, 0))

# --- scband reference (transcript-rebuilt; emitter-appended) ---
"""Pipeline reference for scband-evolution-model-69827578298857 (READ-ONLY COPY).

The authoritative reference and input builder live on the scoring server;
editing this copy changes nothing except your own understanding.
"""

import jax, jax.numpy as jnp
import numpy as np
from jax import lax

N_RAYS = 2048
N_STEPS = 16
N_SAMPLES = 64
NEAR = 0.0
FAR = 1.0
NUM_NODES = 8192
NUM_TETRA = 4096
NUM_FACES = 8192


def setup_inputs(seed: int = 0):
    key = jax.random.key(seed)
    ks = jax.random.split(key, 8)
    pos = jax.random.uniform(ks[0], (NUM_NODES, 3), dtype=jnp.float32)
    tetra = jax.random.randint(ks[1], (4, NUM_TETRA), 0, NUM_NODES)
    tetra_face = jax.random.randint(ks[2], (NUM_TETRA, 4), 0, NUM_FACES)
    face_vertex = jax.random.randint(ks[3], (NUM_FACES, 3), 0, NUM_NODES)
    face_tetra = jax.random.randint(ks[4], (NUM_FACES, 2), 0, NUM_TETRA)
    r0 = jax.random.uniform(ks[5], (N_RAYS, 3), dtype=jnp.float32)
    m0 = jax.random.normal(ks[6], (N_RAYS, 3), dtype=jnp.float32)
    m0 = m0 / jnp.linalg.norm(m0, axis=1, keepdims=True)
    return {"r0": r0, "m0": m0, "pos": pos, "tetra": tetra,
            "tetra_face": tetra_face, "face_vertex": face_vertex,
            "face_tetra": face_tetra}


def _bdot(a, b):
    return jnp.sum(a * b, axis=-1)


def _wrap_to_2pi(phi):
    return jnp.mod(phi, 2.0 * np.pi)


def reference(r0, m0, pos, tetra, tetra_face, face_vertex, face_tetra):
    num_tetra = tetra.shape[1]
    n_rays = r0.shape[0]
    # compute_vars: per-tetra refractive-index linear model n(x) = a + b.x
    n_index = -0.1 * jnp.linalg.norm(pos, axis=1) + 1.1
    coords = jnp.transpose(pos[tetra], (1, 2, 0))  # [T,3,4]
    kmat = jnp.linalg.inv(jnp.concatenate(
        [jnp.ones((num_tetra, 1, 4), coords.dtype), coords], axis=1))
    ab = jnp.matmul(jnp.transpose(kmat, (0, 2, 1)), n_index[tetra].T[..., None])
    a_all = ab[:, 0, 0]
    b_all = ab[:, 1:, 0]
    n_all = b_all / jnp.linalg.norm(b_all, axis=1, keepdims=True)
    # find_tetrahedron_point (barycentric test against every tetra)
    v0 = pos[tetra[0]]
    emat = jnp.stack([pos[tetra[1]] - v0, pos[tetra[2]] - v0, pos[tetra[3]] - v0], axis=2)
    ort = jnp.linalg.inv(emat)  # [T,3,3]
    diff = r0.T[None, :, :] - v0[:, :, None]  # [T,3,N]
    newp = jnp.einsum('kim,kmj->kij', ort, diff)
    val = jnp.all(newp >= 0, axis=1) & jnp.all(newp <= 1, axis=1) & (jnp.sum(newp, axis=1) <= 1)
    has = jnp.any(val, axis=0)
    tetra_idx0 = jnp.where(has, jnp.argmax(val, axis=0).astype(jnp.int32),
                           jnp.int32(-1))

    def step(carry, _):
        tetra_idx, rp, m = carry
        bs = m.shape[0]
        a = a_all[tetra_idx]
        b = b_all[tetra_idx]
        n = n_all[tetra_idx]
        faces = tetra_face[tetra_idx].T  # [4,bs]
        mn = jnp.cross(m, n)
        q = mn / jnp.sqrt(_bdot(mn, mn))[:, None]
        nq = jnp.cross(n, q)
        mn_dot = _bdot(m, n)[:, None]
        rc = rp - (_bdot(rp, n) + a / jnp.linalg.norm(b, axis=1))[:, None] * (
            n - mn_dot * nq / _bdot(m, nq)[:, None])
        R = rc - rp
        Rn = jnp.linalg.norm(R, axis=1)
        phis = []
        for it in range(4):
            face = faces[it]
            pvf = pos[face_vertex[face]]
            i_ = pvf[:, 0]
            j_ = pvf[:, 1]
            k_ = pvf[:, 2]
            ML0 = (j_[:, 1] - i_[:, 1]) * (k_[:, 2] - i_[:, 2]) - (k_[:, 1] - i_[:, 1]) * (j_[:, 2] - i_[:, 2])
            ML1 = (j_[:, 2] - i_[:, 2]) * (k_[:, 0] - i_[:, 0]) - (k_[:, 2] - i_[:, 2]) * (j_[:, 0] - i_[:, 0])
            ML2 = (j_[:, 0] - i_[:, 0]) * (k_[:, 1] - i_[:, 1]) - (k_[:, 0] - i_[:, 0]) * (j_[:, 1] - i_[:, 1])
            ML = jnp.stack([ML0, ML1, ML2], axis=1)
            QL = -_bdot(i_, ML)
            c1 = -_bdot(ML, R)
            c2 = Rn * _bdot(ML, m)
            c3 = _bdot(ML, rc) + QL
            disc = jnp.sqrt(c1 ** 2 + c2 ** 2 - c3 ** 2)
            phi1 = _wrap_to_2pi(2.0 * jnp.arctan((c2 + disc) / (c1 - c3)))
            phi2 = _wrap_to_2pi(2.0 * jnp.arctan((c2 - disc) / (c1 - c3)))
            phis.append(jnp.minimum(phi1, phi2))
        phiR = jnp.nan_to_num(jnp.stack(phis, axis=1), nan=10.0)
        phiE = jnp.min(phiR, axis=1, keepdims=True)
        idx_face = jnp.argmin(phiR, axis=1)
        phiE = phiE + phiE / 100.0
        re = rc - jnp.cos(phiE) * R + Rn[:, None] * jnp.sin(phiE) * m
        me = jnp.cos(phiE) * m + jnp.sin(phiE) / Rn[:, None] * R
        hit_face = faces[idx_face, jnp.arange(bs)]
        ft = face_tetra[hit_face]
        nxt = ft[jnp.arange(bs), jnp.argmax(ft != tetra_idx[:, None], axis=1)].astype(jnp.int32)
        dist = jnp.linalg.norm(rp - re, axis=1)
        return (nxt, re, me), (re, me, dist)

    _carry, (r_steps, m_steps, d_steps) = lax.scan(step, (tetra_idx0, r0, m0), None, length=N_STEPS)
    r_hist = jnp.concatenate([r0[:, None, :], jnp.transpose(r_steps, (1, 0, 2))], axis=1)  # [N,S+1,3]
    d = jnp.cumsum(jnp.concatenate([jnp.zeros((n_rays, 1), r0.dtype), d_steps.T], axis=1), axis=1)
    t_vals = jnp.linspace(0.1, 1.0, N_SAMPLES).astype(r0.dtype)
    z = (NEAR * (1.0 - t_vals) + FAR * t_vals)[None, :] * jnp.ones((n_rays, 1), r0.dtype)

    def per_ray(r_row, d_row, z_row):
        idx = jnp.clip(jnp.searchsorted(d_row, z_row, side='right') - 1, 0, d_row.shape[0] - 2)
        d0 = d_row[idx]
        d1 = d_row[idx + 1]
        denom = jnp.where(jnp.abs(d1 - d0) > 1e-12, d1 - d0, 1.0)
        frac = (z_row - d0) / denom
        return r_row[idx] + frac[:, None] * (r_row[idx + 1] - r_row[idx])

    final_coords = jax.vmap(per_ray)(r_hist, d, z)
    return final_coords

if __name__ == "__main__":
    import jax
    _d = setup_inputs()
    print(jax.jit(kernel)(*tuple(_d.values())))

</pallas_src>

<mosaic_0001>
module attributes {stable_mosaic.version = 14 : i64} {
  func.func @_body(%arg0: memref<3x2048xf32, #tpu.memory_space<vmem>>, %arg1: memref<3x2048xf32, #tpu.memory_space<vmem>>, %arg2: memref<4096x12xf32, #tpu.memory_space<vmem>>, %arg3: memref<28x4096xf32, #tpu.memory_space<vmem>>, %arg4: memref<64x1xf32, #tpu.memory_space<vmem>>, %arg5: memref<3x64x2048xf32, #tpu.memory_space<vmem>>, %arg6: memref<24x2048xf32, #tpu.memory_space<vmem>>, %arg7: memref<24x2048xf32, #tpu.memory_space<vmem>>, %arg8: memref<24x2048xf32, #tpu.memory_space<vmem>>, %arg9: memref<24x2048xf32, #tpu.memory_space<vmem>>) attributes {dimension_semantics = [], scalar_prefetch = 0 : i64, scratch_operands = 4 : i64, tpu.core_type = #tpu.core_type<tc>} {
    %get3A = arith.constant 0 : index
    %get3A_0 = arith.constant 0 : index
    %get3A_1 = vector.load %arg0[%get3A, %get3A_0] : memref<3x2048xf32, #tpu.memory_space<vmem>>, vector<1x2048xf32>
    %get3A_2 = arith.constant 1 : index
    %get3A_3 = arith.constant 0 : index
    %get3A_4 = vector.load %arg0[%get3A_2, %get3A_3] : memref<3x2048xf32, #tpu.memory_space<vmem>>, vector<1x2048xf32>
    %get3A_5 = arith.constant 2 : index
    %get3A_6 = arith.constant 0 : index
    %get3A_7 = vector.load %arg0[%get3A_5, %get3A_6] : memref<3x2048xf32, #tpu.memory_space<vmem>>, vector<1x2048xf32>
    %broadcast_in_dim3A = arith.constant 1073741824 : i32
    %broadcast_in_dim3A_8 = vector.broadcast %broadcast_in_dim3A : i32 to vector<1x2048xi32>
    %scan3A = arith.constant 0 : i32
    %scan3A_9 = arith.constant 8 : i32
    %scan3A_10 = arith.addi %scan3A, %scan3A_9 : i32
    %scan3A_11 = arith.constant 1 : i32
    %scan3A_12 = scf.for %scan3A_1084 = %scan3A to %scan3A_10 step %scan3A_11 iter_args(%scan3A_1085 = %broadcast_in_dim3A_8) -> (vector<1x2048xi32>)  : i32 {
      %mul3A_1086 = arith.constant 512 : i32
      %mul3A_1087 = arith.muli %scan3A_1084, %mul3A_1086 : i32
      %get3A_1088 = arith.index_cast %mul3A_1087 : i32 to index
      %get3A_1089 = arith.constant 0 : index
      %get3A_1090 = vector.load %arg2[%get3A_1088, %get3A_1089] : memref<4096x12xf32, #tpu.memory_space<vmem>>, vector<512x12xf32>
      %slice3A_1091 = vector.extract_strided_slice %get3A_1090 {offsets = [0, 0], sizes = [512, 1], strides = [1, 1]} : vector<512x12xf32> to vector<512x1xf32>
      %slice3A_1092 = vector.extract_strided_slice %get3A_1090 {offsets = [0, 1], sizes = [512, 1], strides = [1, 1]} : vector<512x12xf32> to vector<512x1xf32>
      %slice3A_1093 = vector.extract_strided_slice %get3A_1090 {offsets = [0, 2], sizes = [512, 1], strides = [1, 1]} : vector<512x12xf32> to vector<512x1xf32>
      %mul3A_1094 = vector.broadcast %slice3A_1091 : vector<512x1xf32> to vector<512x2048xf32>
      %mul3A_1095 = vector.broadcast %get3A_1 : vector<1x2048xf32> to vector<512x2048xf32>
      %mul3A_1096 = arith.mulf %mul3A_1094, %mul3A_1095 : vector<512x2048xf32>
      %mul3A_1097 = vector.broadcast %slice3A_1092 : vector<512x1xf32> to vector<512x2048xf32>
      %mul3A_1098 = vector.broadcast %get3A_4 : vector<1x2048xf32> to vector<512x2048xf32>
      %mul3A_1099 = arith.mulf %mul3A_1097, %mul3A_1098 : vector<512x2048xf32>
      %add3A_1100 = arith.addf %mul3A_1096, %mul3A_1099 : vector<512x2048xf32>
      %mul3A_1101 = vector.broadcast %slice3A_1093 : vector<512x1xf32> to vector<512x2048xf32>
      %mul3A_1102 = vector.broadcast %get3A_7 : vector<1x2048xf32> to vector<512x2048xf32>
      %mul3A_1103 = arith.mulf %mul3A_1101, %mul3A_1102 : vector<512x2048xf32>
      %add3A_1104 = arith.addf %add3A_1100, %mul3A_1103 : vector<512x2048xf32>
      %slice3A_1105 = vector.extract_strided_slice %get3A_1090 {offsets = [0, 9], sizes = [512, 1], strides = [1, 1]} : vector<512x12xf32> to vector<512x1xf32>
      %sub3A_1106 = vector.broadcast %slice3A_1105 : vector<512x1xf32> to vector<512x2048xf32>
      %sub3A_1107 = arith.subf %add3A_1104, %sub3A_1106 : vector<512x2048xf32>
      %slice3A_1108 = vector.extract_strided_slice %get3A_1090 {offsets = [0, 3], sizes = [512, 1], strides = [1, 1]} : vector<512x12xf32> to vector<512x1xf32>
      %slice3A_1109 = vector.extract_strided_slice %get3A_1090 {offsets = [0, 4], sizes = [512, 1], strides = [1, 1]} : vector<512x12xf32> to vector<512x1xf32>
      %slice3A_1110 = vector.extract_strided_slice %get3A_1090 {offsets = [0, 5], sizes = [512, 1], strides = [1, 1]} : vector<512x12xf32> to vector<512x1xf32>
      %mul3A_1111 = vector.broadcast %slice3A_1108 : vector<512x1xf32> to vector<512x2048xf32>
      %mul3A_1112 = vector.broadcast %get3A_1 : vector<1x2048xf32> to vector<512x2048xf32>
      %mul3A_1113 = arith.mulf %mul3A_1111, %mul3A_1112 : vector<512x2048xf32>
      %mul3A_1114 = vector.broadcast %slice3A_1109 : vector<512x1xf32> to vector<512x2048xf32>
      %mul3A_1115 = vector.broadcast %get3A_4 : vector<1x2048xf32> to vector<512x2048xf32>
      %mul3A_1116 = arith.mulf %mul3A_1114, %mul3A_1115 : vector<512x2048xf32>
      %add3A_1117 = arith.addf %mul3A_1113, %mul3A_1116 : vector<512x2048xf32>
      %mul3A_1118 = vector.broadcast %slice3A_1110 : vector<512x1xf32> to vector<512x2048xf32>
      %mul3A_1119 = vector.broadcast %get3A_7 : vector<1x2048xf32> to vector<512x2048xf32>
      %mul3A_1120 = arith.mulf %mul3A_1118, %mul3A_1119 : vector<512x2048xf32>
      %add3A_1121 = arith.addf %add3A_1117, %mul3A_1120 : vector<512x2048xf32>
      %slice3A_1122 = vector.extract_strided_slice %get3A_1090 {offsets = [0, 10], sizes = [512, 1], strides = [1, 1]} : vector<512x12xf32> to vector<512x1xf32>
      %sub3A_1123 = vector.broadcast %slice3A_1122 : vector<512x1xf32> to vector<512x2048xf32>
      %sub3A_1124 = arith.subf %add3A_1121, %sub3A_1123 : vector<512x2048xf32>
      %slice3A_1125 = vector.extract_strided_slice %get3A_1090 {offsets = [0, 6], sizes = [512, 1], strides = [1, 1]} : vector<512x12xf32> to vector<512x1xf32>
      %slice3A_1126 = vector.extract_strided_slice %get3A_1090 {offsets = [0, 7], sizes = [512, 1], strides = [1, 1]} : vector<512x12xf32> to vector<512x1xf32>
      %slice3A_1127 = vector.extract_strided_slice %get3A_1090 {offsets = [0, 8], sizes = [512, 1], strides = [1, 1]} : vector<512x12xf32> to vector<512x1xf32>
      %mul3A_1128 = vector.broadcast %slice3A_1125 : vector<512x1xf32> to vector<512x2048xf32>
      %mul3A_1129 = vector.broadcast %get3A_1 : vector<1x2048xf32> to vector<512x2048xf32>
      %mul3A_1130 = arith.mulf %mul3A_1128, %mul3A_1129 : vector<512x2048xf32>
      %mul3A_1131 = vector.broadcast %slice3A_1126 : vector<512x1xf32> to vector<512x2048xf32>
      %mul3A_1132 = vector.broadcast %get3A_4 : vector<1x2048xf32> to vector<512x2048xf32>
      %mul3A_1133 = arith.mulf %mul3A_1131, %mul3A_1132 : vector<512x2048xf32>
      %add3A_1134 = arith.addf %mul3A_1130, %mul3A_1133 : vector<512x2048xf32>
      %mul3A_1135 = vector.broadcast %slice3A_1127 : vector<512x1xf32> to vector<512x2048xf32>
      %mul3A_1136 = vector.broadcast %get3A_7 : vector<1x2048xf32> to vector<512x2048xf32>
      %mul3A_1137 = arith.mulf %mul3A_1135, %mul3A_1136 : vector<512x2048xf32>
      %add3A_1138 = arith.addf %add3A_1134, %mul3A_1137 : vector<512x2048xf32>
      %slice3A_1139 = vector.extract_strided_slice %get3A_1090 {offsets = [0, 11], sizes = [512, 1], strides = [1, 1]} : vector<512x12xf32> to vector<512x1xf32>
      %sub3A_1140 = vector.broadcast %slice3A_1139 : vector<512x1xf32> to vector<512x2048xf32>
      %sub3A_1141 = arith.subf %add3A_1138, %sub3A_1140 : vector<512x2048xf32>
      %add3A_1142 = arith.addf %sub3A_1107, %sub3A_1124 : vector<512x2048xf32>
      %add3A_1143 = arith.addf %add3A_1142, %sub3A_1141 : vector<512x2048xf32>
      %ge3A_1144 = arith.constant 0.000000e+00 : f32
      %ge3A_1145 = vector.broadcast %ge3A_1144 : f32 to vector<512x2048xf32>
      %ge3A_1146 = arith.cmpf oge, %sub3A_1107, %ge3A_1145 : vector<512x2048xf32>
      %ge3A_1147 = arith.constant 0.000000e+00 : f32
      %ge3A_1148 = vector.broadcast %ge3A_1147 : f32 to vector<512x2048xf32>
      %ge3A_1149 = arith.cmpf oge, %sub3A_1124, %ge3A_1148 : vector<512x2048xf32>
      %and3A = arith.andi %ge3A_1146, %ge3A_1149 : vector<512x2048xi1>
      %ge3A_1150 = arith.constant 0.000000e+00 : f32
      %ge3A_1151 = vector.broadcast %ge3A_1150 : f32 to vector<512x2048xf32>
      %ge3A_1152 = arith.cmpf oge, %sub3A_1141, %ge3A_1151 : vector<512x2048xf32>
      %and3A_1153 = arith.andi %and3A, %ge3A_1152 : vector<512x2048xi1>
      %le3A_1154 = arith.constant 1.000000e+00 : f32
      %le3A_1155 = vector.broadcast %le3A_1154 : f32 to vector<512x2048xf32>
      %le3A_1156 = arith.cmpf ole, %sub3A_1107, %le3A_1155 : vector<512x2048xf32>
      %and3A_1157 = arith.andi %and3A_1153, %le3A_1156 : vector<512x2048xi1>
      %le3A_1158 = arith.constant 1.000000e+00 : f32
      %le3A_1159 = vector.broadcast %le3A_1158 : f32 to vector<512x2048xf32>
      %le3A_1160 = arith.cmpf ole, %sub3A_1124, %le3A_1159 : vector<512x2048xf32>
      %and3A_1161 = arith.andi %and3A_1157, %le3A_1160 : vector<512x2048xi1>
      %le3A_1162 = arith.constant 1.000000e+00 : f32
      %le3A_1163 = vector.broadcast %le3A_1162 : f32 to vector<512x2048xf32>
      %le3A_1164 = arith.cmpf ole, %sub3A_1141, %le3A_1163 : vector<512x2048xf32>
      %and3A_1165 = arith.andi %and3A_1161, %le3A_1164 : vector<512x2048xi1>
      %le3A_1166 = arith.constant 1.000000e+00 : f32
      %le3A_1167 = vector.broadcast %le3A_1166 : f32 to vector<512x2048xf32>
      %le3A_1168 = arith.cmpf ole, %add3A_1143, %le3A_1167 : vector<512x2048xf32>
      %and3A_1169 = arith.andi %and3A_1165, %le3A_1168 : vector<512x2048xi1>
      %iota3A = tpu.iota {dimensions = array<i32: 0>} : vector<512x2048xi32>
      %mul3A_1170 = arith.constant 512 : i32
      %mul3A_1171 = arith.muli %scan3A_1084, %mul3A_1170 : i32
      %add3A_1172 = vector.broadcast %mul3A_1171 : i32 to vector<512x2048xi32>
      %add3A_1173 = arith.addi %iota3A, %add3A_1172 : vector<512x2048xi32>
      %jit3A_1174 = arith.constant 1073741824 : i32
      %broadcast_in_dim3A_1175 = vector.broadcast %jit3A_1174 : i32 to vector<512x2048xi32>
      %select_n3A_1176 = arith.select %and3A_1169, %add3A_1173, %broadcast_in_dim3A_1175 : vector<512x2048xi1>, vector<512x2048xi32>
      %reduce_min3A = arith.constant dense<2147483647> : vector<2048xi32>
      %reduce_min3A_1177 = vector.multi_reduction <minsi>, %select_n3A_1176, %reduce_min3A [0] : vector<512x2048xi32> to vector<2048xi32>
      %broadcast_in_dim3A_1178 = vector.shape_cast %reduce_min3A_1177 : vector<2048xi32> to vector<1x2048xi32>
      %min3A_1179 = arith.minsi %scan3A_1085, %broadcast_in_dim3A_1178 : vector<1x2048xi32>
      scf.yield %min3A_1179 : vector<1x2048xi32>
    }
    %scan3A_13 = arith.constant 8 : i32
    %ge3A = arith.constant 1073741824 : i32
    %ge3A_14 = vector.broadcast %ge3A : i32 to vector<1x2048xi32>
    %ge3A_15 = arith.cmpi sge, %scan3A_12, %ge3A_14 : vector<1x2048xi32>
    %jit3A = arith.constant -1 : i32
    %broadcast_in_dim3A_16 = vector.broadcast %jit3A : i32 to vector<1x2048xi32>
    %select_n3A = arith.select %ge3A_15, %broadcast_in_dim3A_16, %scan3A_12 : vector<1x2048xi1>, vector<1x2048xi32>
    %broadcast_in_dim3A_17 = arith.constant 0.000000e+00 : f32
    %broadcast_in_dim3A_18 = vector.broadcast %broadcast_in_dim3A_17 : f32 to vector<1x2048xf32>
    %swap3A = arith.constant 0 : index
    %swap3A_19 = arith.constant 0 : index
    %swap3A_20 = vector.load %arg6[%swap3A, %swap3A_19] : memref<24x2048xf32, #tpu.memory_space<vmem>>, vector<1x2048xf32>
    tpu.vector_store %arg6[%swap3A, %swap3A_19], %broadcast_in_dim3A_18 {strides = array<i32>} : memref<24x2048xf32, #tpu.memory_space<vmem>>, vector<1x2048xf32>,
    %swap3A_21 = arith.constant 0 : index
    %swap3A_22 = arith.constant 0 : index
    %swap3A_23 = vector.load %arg7[%swap3A_21, %swap3A_22] : memref<24x2048xf32, #tpu.memory_space<vmem>>, vector<1x2048xf32>
    tpu.vector_store %arg7[%swap3A_21, %swap3A_22], %get3A_1 {strides = array<i32>} : memref<24x2048xf32, #tpu.memory_space<vmem>>, vector<1x2048xf32>,
    %swap3A_24 = arith.constant 0 : index
    %swap3A_25 = arith.constant 0 : index
    %swap3A_26 = vector.load %arg8[%swap3A_24, %swap3A_25] : memref<24x2048xf32, #tpu.memory_space<vmem>>, vector<1x2048xf32>
    tpu.vector_store %arg8[%swap3A_24, %swap3A_25], %get3A_4 {strides = array<i32>} : memref<24x2048xf32, #tpu.memory_space<vmem>>, vector<1x2048xf32>,
    %swap3A_27 = arith.constant 0 : index
    %swap3A_28 = arith.constant 0 : index
    %swap3A_29 = vector.load %arg9[%swap3A_27, %swap3A_28] : memref<24x2048xf32, #tpu.memory_space<vmem>>, vector<1x2048xf32>
    tpu.vector_store %arg9[%swap3A_27, %swap3A_28], %get3A_7 {strides = array<i32>} : memref<24x2048xf32, #tpu.memory_space<vmem>>, vector<1x2048xf32>,
    %get3A_30 = arith.constant 0 : index
    %get3A_31 = arith.constant 0 : index
    %get3A_32 = vector.load %arg1[%get3A_30, %get3A_31] : memref<3x2048xf32, #tpu.memory_space<vmem>>, vector<3x2048xf32>
    %slice3A = vector.extract_strided_slice %get3A_32 {offsets = [0, 0], sizes = [1, 2048], strides = [1, 1]} : vector<3x2048xf32> to vector<1x2048xf32>
    %slice3A_33 = vector.extract_strided_slice %get3A_32 {offsets = [1, 0], sizes = [1, 2048], strides = [1, 1]} : vector<3x2048xf32> to vector<1x2048xf32>
    %slice3A_34 = vector.extract_strided_slice %get3A_32 {offsets = [2, 0], sizes = [1, 2048], strides = [1, 1]} : vector<3x2048xf32> to vector<1x2048xf32>
    %broadcast_in_dim3A_35 = arith.constant 0.000000e+00 : f32
    %broadcast_in_dim3A_36 = vector.broadcast %broadcast_in_dim3A_35 : f32 to vector<1x2048xf32>
    %scan3A_37 = arith.constant 0 : i32
    %scan3A_38 = arith.constant 16 : i32
    %scan3A_39 = arith.addi %scan3A_37, %scan3A_38 : i32
    %scan3A_40 = arith.constant 1 : i32
    %scan3A_41:8 = scf.for %scan3A_1084 = %scan3A_37 to %scan3A_39 step %scan3A_40 iter_args(%scan3A_1085 = %select_n3A, %scan3A_1086 = %get3A_1, %scan3A_1087 = %get3A_4, %scan3A_1088 = %get3A_7, %scan3A_1089 = %slice3A, %scan3A_1090 = %slice3A_33, %scan3A_1091 = %slice3A_34, %scan3A_1092 = %broadcast_in_dim3A_36) -> (vector<1x2048xi32>, vector<1x2048xf32>, vector<1x2048xf32>, vector<1x2048xf32>, vector<1x2048xf32>, vector<1x2048xf32>, vector<1x2048xf32>, vector<1x2048xf32>)  : i32 {
      %lt3A = arith.constant 0 : i32
      %lt3A_1093 = vector.broadcast %lt3A : i32 to vector<1x2048xi32>
      %lt3A_1094 = arith.cmpi slt, %scan3A_1085, %lt3A_1093 : vector<1x2048xi32>
      %add3A_1095 = arith.constant 4096 : i32
      %add3A_1096 = vector.broadcast %add3A_1095 : i32 to vector<1x2048xi32>
      %add3A_1097 = arith.addi %scan3A_1085, %add3A_1096 : vector<1x2048xi32>
      %select_n3A_1098 = arith.select %lt3A_1094, %add3A_1097, %scan3A_1085 : vector<1x2048xi1>, vector<1x2048xi32>
      %broadcast_in_dim3A_1099 = arith.constant 0.000000e+00 : f32
      %broadcast_in_dim3A_1100 = vector.broadcast %broadcast_in_dim3A_1099 : f32 to vector<28x2048xf32>
      %scan3A_1101 = arith.constant 0 : i32
      %scan3A_1102 = arith.constant 8 : i32
      %scan3A_1103 = arith.addi %scan3A_1101, %scan3A_1102 : i32
      %scan3A_1104 = arith.constant 1 : i32
      %scan3A_1105 = scf.for %scan3A_1337 = %scan3A_1101 to %scan3A_1103 step %scan3A_1104 iter_args(%scan3A_1338 = %broadcast_in_dim3A_1100) -> (vector<28x2048xf32>)  : i32 {
        %iota3A_1339 = tpu.iota {dimensions = array<i32: 0>} : vector<512x2048xi32>
        %mul3A_1340 = arith.constant 512 : i32
        %mul3A_1341 = arith.muli %scan3A_1337, %mul3A_1340 : i32
        %add3A_1342 = vector.broadcast %mul3A_1341 : i32 to vector<512x2048xi32>
        %add3A_1343 = arith.addi %iota3A_1339, %add3A_1342 : vector<512x2048xi32>
        %eq3A_1344 = vector.broadcast %select_n3A_1098 : vector<1x2048xi32> to vector<512x2048xi32>
        %eq3A_1345 = arith.cmpi eq, %add3A_1343, %eq3A_1344 : vector<512x2048xi32>
        %convert_element_type3A_1346 = arith.extui %eq3A_1345 : vector<512x2048xi1> to vector<512x2048xi32>
        %convert_element_type3A_1347 = arith.sitofp %convert_element_type3A_1346 : vector<512x2048xi32> to vector<512x2048xf32>
        %mul3A_1348 = arith.constant 512 : i32
        %mul3A_1349 = arith.muli %scan3A_1337, %mul3A_1348 : i32
        %get3A_1350 = arith.constant 0 : index
        %get3A_1351 = arith.index_cast %mul3A_1349 : i32 to index
        %get3A_1352 = vector.load %arg3[%get3A_1350, %get3A_1351] : memref<28x4096xf32, #tpu.memory_space<vmem>>, vector<28x512xf32>
        %dot_general3A = arith.constant dense<0.000000e+00> : vector<28x2048xf32>
        %dot_general3A_1353 = tpu.matmul %get3A_1352, %convert_element_type3A_1347, %dot_general3A {dimension_numbers = #tpu.dot_dimension_numbers<[1], [0], [0], [1], [0, 0, 1, 1], [], []>, transpose_lhs_hint = false} : vector<28x512xf32>, vector<512x2048xf32>, vector<28x2048xf32> -> vector<28x2048xf32>
        %add3A_1354 = arith.addf %scan3A_1338, %dot_general3A_1353 : vector<28x2048xf32>
        scf.yield %add3A_1354 : vector<28x2048xf32>
      }
      %scan3A_1106 = arith.constant 8 : i32
      %slice3A_1107 = vector.extract_strided_slice %scan3A_1105 {offsets = [0, 0], sizes = [1, 2048], strides = [1, 1]} : vector<28x2048xf32> to vector<1x2048xf32>
      %slice3A_1108 = vector.extract_strided_slice %scan3A_1105 {offsets = [1, 0], sizes = [1, 2048], strides = [1, 1]} : vector<28x2048xf32> to vector<1x2048xf32>
      %slice3A_1109 = vector.extract_strided_slice %scan3A_1105 {offsets = [2, 0], sizes = [1, 2048], strides = [1, 1]} : vector<28x2048xf32> to vector<1x2048xf32>
      %slice3A_1110 = vector.extract_strided_slice %scan3A_1105 {offsets = [3, 0], sizes = [1, 2048], strides = [1, 1]} : vector<28x2048xf32> to vector<1x2048xf32>
      %mul3A_1111 = arith.mulf %scan3A_1090, %slice3A_1109 : vector<1x2048xf32>
      %mul3A_1112 = arith.mulf %scan3A_1091, %slice3A_1108 : vector<1x2048xf32>
      %sub3A_1113 = arith.subf %mul3A_1111, %mul3A_1112 : vector<1x2048xf32>
      %mul3A_1114 = arith.mulf %scan3A_1091, %slice3A_1107 : vector<1x2048xf32>
      %mul3A_1115 = arith.mulf %scan3A_1089, %slice3A_1109 : vector<1x2048xf32>
      %sub3A_1116 = arith.subf %mul3A_1114, %mul3A_1115 : vector<1x2048xf32>
      %mul3A_1117 = arith.mulf %scan3A_1089, %slice3A_1108 : vector<1x2048xf32>
      %mul3A_1118 = arith.mulf %scan3A_1090, %slice3A_1107 : vector<1x2048xf32>
      %sub3A_1119 = arith.subf %mul3A_1117, %mul3A_1118 : vector<1x2048xf32>
      %mul3A_1120 = arith.mulf %sub3A_1113, %sub3A_1113 : vector<1x2048xf32>
      %mul3A_1121 = arith.mulf %sub3A_1116, %sub3A_1116 : vector<1x2048xf32>
      %add3A_1122 = arith.addf %mul3A_1120, %mul3A_1121 : vector<1x2048xf32>
      %mul3A_1123 = arith.mulf %sub3A_1119, %sub3A_1119 : vector<1x2048xf32>
      %add3A_1124 = arith.addf %add3A_1122, %mul3A_1123 : vector<1x2048xf32>
      %sqrt3A = math.sqrt %add3A_1124 : vector<1x2048xf32>
      %div3A_1125 = arith.divf %sub3A_1113, %sqrt3A : vector<1x2048xf32>
      %div3A_1126 = arith.divf %sub3A_1116, %sqrt3A : vector<1x2048xf32>
      %div3A_1127 = arith.divf %sub3A_1119, %sqrt3A : vector<1x2048xf32>
      %mul3A_1128 = arith.mulf %slice3A_1108, %div3A_1127 : vector<1x2048xf32>
      %mul3A_1129 = arith.mulf %slice3A_1109, %div3A_1126 : vector<1x2048xf32>
      %sub3A_1130 = arith.subf %mul3A_1128, %mul3A_1129 : vector<1x2048xf32>
      %mul3A_1131 = arith.mulf %slice3A_1109, %div3A_1125 : vector<1x2048xf32>
      %mul3A_1132 = arith.mulf %slice3A_1107, %div3A_1127 : vector<1x2048xf32>
      %sub3A_1133 = arith.subf %mul3A_1131, %mul3A_1132 : vector<1x2048xf32>
      %mul3A_1134 = arith.mulf %slice3A_1107, %div3A_1126 : vector<1x2048xf32>
      %mul3A_1135 = arith.mulf %slice3A_1108, %div3A_1125 : vector<1x2048xf32>
      %sub3A_1136 = arith.subf %mul3A_1134, %mul3A_1135 : vector<1x2048xf32>
      %mul3A_1137 = arith.mulf %scan3A_1089, %slice3A_1107 : vector<1x2048xf32>
      %mul3A_1138 = arith.mulf %scan3A_1090, %slice3A_1108 : vector<1x2048xf32>
      %add3A_1139 = arith.addf %mul3A_1137, %mul3A_1138 : vector<1x2048xf32>
      %mul3A_1140 = arith.mulf %scan3A_1091, %slice3A_1109 : vector<1x2048xf32>
      %add3A_1141 = arith.addf %add3A_1139, %mul3A_1140 : vector<1x2048xf32>
      %mul3A_1142 = arith.mulf %scan3A_1089, %sub3A_1130 : vector<1x2048xf32>
      %mul3A_1143 = arith.mulf %scan3A_1090, %sub3A_1133 : vector<1x2048xf32>
      %add3A_1144 = arith.addf %mul3A_1142, %mul3A_1143 : vector<1x2048xf32>
      %mul3A_1145 = arith.mulf %scan3A_1091, %sub3A_1136 : vector<1x2048xf32>
      %add3A_1146 = arith.addf %add3A_1144, %mul3A_1145 : vector<1x2048xf32>
      %mul3A_1147 = arith.mulf %scan3A_1086, %slice3A_1107 : vector<1x2048xf32>
      %mul3A_1148 = arith.mulf %scan3A_1087, %slice3A_1108 : vector<1x2048xf32>
      %add3A_1149 = arith.addf %mul3A_1147, %mul3A_1148 : vector<1x2048xf32>
      %mul3A_1150 = arith.mulf %scan3A_1088, %slice3A_1109 : vector<1x2048xf32>
      %add3A_1151 = arith.addf %add3A_1149, %mul3A_1150 : vector<1x2048xf32>
      %add3A_1152 = arith.addf %add3A_1151, %slice3A_1110 : vector<1x2048xf32>
      %mul3A_1153 = arith.mulf %add3A_1141, %sub3A_1130 : vector<1x2048xf32>
      %div3A_1154 = arith.divf %mul3A_1153, %add3A_1146 : vector<1x2048xf32>
      %sub3A_1155 = arith.subf %slice3A_1107, %div3A_1154 : vector<1x2048xf32>
      %mul3A_1156 = arith.mulf %add3A_1152, %sub3A_1155 : vector<1x2048xf32>
      %sub3A_1157 = arith.subf %scan3A_1086, %mul3A_1156 : vector<1x2048xf32>
      %mul3A_1158 = arith.mulf %add3A_1141, %sub3A_1133 : vector<1x2048xf32>
      %div3A_1159 = arith.divf %mul3A_1158, %add3A_1146 : vector<1x2048xf32>
      %sub3A_1160 = arith.subf %slice3A_1108, %div3A_1159 : vector<1x2048xf32>
      %mul3A_1161 = arith.mulf %add3A_1152, %sub3A_1160 : vector<1x2048xf32>
      %sub3A_1162 = arith.subf %scan3A_1087, %mul3A_1161 : vector<1x2048xf32>
      %mul3A_1163 = arith.mulf %add3A_1141, %sub3A_1136 : vector<1x2048xf32>
      %div3A_1164 = arith.divf %mul3A_1163, %add3A_1146 : vector<1x2048xf32>
      %sub3A_1165 = arith.subf %slice3A_1109, %div3A_1164 : vector<1x2048xf32>
      %mul3A_1166 = arith.mulf %add3A_1152, %sub3A_1165 : vector<1x2048xf32>
      %sub3A_1167 = arith.subf %scan3A_1088, %mul3A_1166 : vector<1x2048xf32>
      %sub3A_1168 = arith.subf %sub3A_1157, %scan3A_1086 : vector<1x2048xf32>
      %sub3A_1169 = arith.subf %sub3A_1162, %scan3A_1087 : vector<1x2048xf32>
      %sub3A_1170 = arith.subf %sub3A_1167, %scan3A_1088 : vector<1x2048xf32>
      %mul3A_1171 = arith.mulf %sub3A_1168, %sub3A_1168 : vector<1x2048xf32>
      %mul3A_1172 = arith.mulf %sub3A_1169, %sub3A_1169 : vector<1x2048xf32>
      %add3A_1173 = arith.addf %mul3A_1171, %mul3A_1172 : vector<1x2048xf32>
      %mul3A_1174 = arith.mulf %sub3A_1170, %sub3A_1170 : vector<1x2048xf32>
      %add3A_1175 = arith.addf %add3A_1173, %mul3A_1174 : vector<1x2048xf32>
      %sqrt3A_1176 = math.sqrt %add3A_1175 : vector<1x2048xf32>
      %slice3A_1177 = vector.extract_strided_slice %scan3A_1105 {offsets = [4, 0], sizes = [4, 2048], strides = [1, 1]} : vector<28x2048xf32> to vector<4x2048xf32>
      %slice3A_1178 = vector.extract_strided_slice %scan3A_1105 {offsets = [8, 0], sizes = [4, 2048], strides = [1, 1]} : vector<28x2048xf32> to vector<4x2048xf32>
      %slice3A_1179 = vector.extract_strided_slice %scan3A_1105 {offsets = [12, 0], sizes = [4, 2048], strides = [1, 1]} : vector<28x2048xf32> to vector<4x2048xf32>
      %slice3A_1180 = vector.extract_strided_slice %scan3A_1105 {offsets = [16, 0], sizes = [4, 2048], strides = [1, 1]} : vector<28x2048xf32> to vector<4x2048xf32>
      %mul3A_1181 = vector.broadcast %sub3A_1168 : vector<1x2048xf32> to vector<4x2048xf32>
      %mul3A_1182 = arith.mulf %slice3A_1177, %mul3A_1181 : vector<4x2048xf32>
      %mul3A_1183 = vector.broadcast %sub3A_1169 : vector<1x2048xf32> to vector<4x2048xf32>
      %mul3A_1184 = arith.mulf %slice3A_1178, %mul3A_1183 : vector<4x2048xf32>
      %add3A_1185 = arith.addf %mul3A_1182, %mul3A_1184 : vector<4x2048xf32>
      %mul3A_1186 = vector.broadcast %sub3A_1170 : vector<1x2048xf32> to vector<4x2048xf32>
      %mul3A_1187 = arith.mulf %slice3A_1179, %mul3A_1186 : vector<4x2048xf32>
      %add3A_1188 = arith.addf %add3A_1185, %mul3A_1187 : vector<4x2048xf32>
      %neg3A = arith.constant 0.000000e+00 : f32
      %neg3A_1189 = vector.broadcast %neg3A : f32 to vector<4x2048xf32>
      %neg3A_1190 = arith.subf %neg3A_1189, %add3A_1188 : vector<4x2048xf32>
      %mul3A_1191 = vector.broadcast %scan3A_1089 : vector<1x2048xf32> to vector<4x2048xf32>
      %mul3A_1192 = arith.mulf %slice3A_1177, %mul3A_1191 : vector<4x2048xf32>
      %mul3A_1193 = vector.broadcast %scan3A_1090 : vector<1x2048xf32> to vector<4x2048xf32>
      %mul3A_1194 = arith.mulf %slice3A_1178, %mul3A_1193 : vector<4x2048xf32>
      %add3A_1195 = arith.addf %mul3A_1192, %mul3A_1194 : vector<4x2048xf32>
      %mul3A_1196 = vector.broadcast %scan3A_1091 : vector<1x2048xf32> to vector<4x2048xf32>
      %mul3A_1197 = arith.mulf %slice3A_1179, %mul3A_1196 : vector<4x2048xf32>
      %add3A_1198 = arith.addf %add3A_1195, %mul3A_1197 : vector<4x2048xf32>
      %mul3A_1199 = vector.broadcast %sqrt3A_1176 : vector<1x2048xf32> to vector<4x2048xf32>
      %mul3A_1200 = arith.mulf %mul3A_1199, %add3A_1198 : vector<4x2048xf32>
      %mul3A_1201 = vector.broadcast %sub3A_1157 : vector<1x2048xf32> to vector<4x2048xf32>
      %mul3A_1202 = arith.mulf %slice3A_1177, %mul3A_1201 : vector<4x2048xf32>
      %mul3A_1203 = vector.broadcast %sub3A_1162 : vector<1x2048xf32> to vector<4x2048xf32>
      %mul3A_1204 = arith.mulf %slice3A_1178, %mul3A_1203 : vector<4x2048xf32>
      %add3A_1205 = arith.addf %mul3A_1202, %mul3A_1204 : vector<4x2048xf32>
      %mul3A_1206 = vector.broadcast %sub3A_1167 : vector<1x2048xf32> to vector<4x2048xf32>
      %mul3A_1207 = arith.mulf %slice3A_1179, %mul3A_1206 : vector<4x2048xf32>
      %add3A_1208 = arith.addf %add3A_1205, %mul3A_1207 : vector<4x2048xf32>
      %add3A_1209 = arith.addf %add3A_1208, %slice3A_1180 : vector<4x2048xf32>
      %mul3A_1210 = arith.mulf %neg3A_1190, %neg3A_1190 : vector<4x2048xf32>
      %mul3A_1211 = arith.mulf %mul3A_1200, %mul3A_1200 : vector<4x2048xf32>
      %add3A_1212 = arith.addf %mul3A_1210, %mul3A_1211 : vector<4x2048xf32>
      %mul3A_1213 = arith.mulf %add3A_1209, %add3A_1209 : vector<4x2048xf32>
      %sub3A_1214 = arith.subf %add3A_1212, %mul3A_1213 : vector<4x2048xf32>
      %sqrt3A_1215 = math.sqrt %sub3A_1214 : vector<4x2048xf32>
      %sub3A_1216 = arith.subf %neg3A_1190, %add3A_1209 : vector<4x2048xf32>
      %add3A_1217 = arith.addf %mul3A_1200, %sqrt3A_1215 : vector<4x2048xf32>
      %div3A_1218 = arith.divf %add3A_1217, %sub3A_1216 : vector<4x2048xf32>
      %sub3A_1219 = arith.subf %mul3A_1200, %sqrt3A_1215 : vector<4x2048xf32>
      %div3A_1220 = arith.divf %sub3A_1219, %sub3A_1216 : vector<4x2048xf32>
      %concatenate3A = tpu.concatenate %div3A_1218, %div3A_1220 in 0 : vector<4x2048xf32>, vector<4x2048xf32> -> vector<8x2048xf32>
      %broadcast_in_dim3A_1221 = arith.constant 1.000000e+00 : f32
      %broadcast_in_dim3A_1222 = vector.broadcast %broadcast_in_dim3A_1221 : f32 to vector<8x2048xf32>
      %atan23A = math.atan2 %concatenate3A, %broadcast_in_dim3A_1222 : vector<8x2048xf32>
      %mul3A_1223 = arith.constant 2.000000e+00 : f32
      %mul3A_1224 = vector.broadcast %mul3A_1223 : f32 to vector<8x2048xf32>
      %mul3A_1225 = arith.mulf %mul3A_1224, %atan23A : vector<8x2048xf32>
      %jit3A_1226 = arith.constant 6.28318548 : f32
      %rem3A = vector.broadcast %jit3A_1226 : f32 to vector<8x2048xf32>
      %rem3A_1227 = arith.remf %mul3A_1225, %rem3A : vector<8x2048xf32>
      %ne3A = arith.constant 0.000000e+00 : f32
      %ne3A_1228 = vector.broadcast %ne3A : f32 to vector<8x2048xf32>
      %ne3A_1229 = arith.cmpf one, %rem3A_1227, %ne3A_1228 : vector<8x2048xf32>
      %lt3A_1230 = arith.constant 0.000000e+00 : f32
      %lt3A_1231 = vector.broadcast %lt3A_1230 : f32 to vector<8x2048xf32>
      %lt3A_1232 = arith.cmpf olt, %rem3A_1227, %lt3A_1231 : vector<8x2048xf32>
      %lt3A_1233 = arith.constant 0.000000e+00 : f32
      %lt3A_1234 = arith.cmpf olt, %jit3A_1226, %lt3A_1233 : f32
      %ne3A_1235 = vector.broadcast %lt3A_1234 : i1 to vector<8x2048xi1>
      %ne3A_1236 = vector.broadcast %ne3A_1235 : vector<8x2048xi1> to vector<8x2048xi1>
      %ne3A_1237 = arith.xori %lt3A_1232, %ne3A_1236 : vector<8x2048xi1>
      %and3A = arith.andi %ne3A_1237, %ne3A_1229 : vector<8x2048xi1>
      %add3A_1238 = vector.broadcast %jit3A_1226 : f32 to vector<8x2048xf32>
      %add3A_1239 = arith.addf %rem3A_1227, %add3A_1238 : vector<8x2048xf32>
      %select_n3A_1240 = arith.select %and3A, %add3A_1239, %rem3A_1227 : vector<8x2048xi1>, vector<8x2048xf32>
      %slice3A_1241 = vector.extract_strided_slice %select_n3A_1240 {offsets = [0, 0], sizes = [4, 2048], strides = [1, 1]} : vector<8x2048xf32> to vector<4x2048xf32>
      %slice3A_1242 = vector.extract_strided_slice %select_n3A_1240 {offsets = [4, 0], sizes = [4, 2048], strides = [1, 1]} : vector<8x2048xf32> to vector<4x2048xf32>
      %min3A_1243 = arith.minimumf %slice3A_1241, %slice3A_1242 : vector<4x2048xf32>
      %ne3A_1244 = arith.cmpf one, %min3A_1243, %min3A_1243 : vector<4x2048xf32>
      %jit3A_1245 = arith.constant 1.000000e+01 : f32
      %broadcast_in_dim3A_1246 = vector.broadcast %jit3A_1245 : f32 to vector<4x2048xf32>
      %select_n3A_1247 = arith.select %ne3A_1244, %broadcast_in_dim3A_1246, %min3A_1243 : vector<4x2048xi1>, vector<4x2048xf32>
      %reduce_min3A = arith.constant dense<0x7F800000> : vector<2048xf32>
      %reduce_min3A_1248 = vector.multi_reduction <minimumf>, %select_n3A_1247, %reduce_min3A [0] : vector<4x2048xf32> to vector<2048xf32>
      %broadcast_in_dim3A_1249 = vector.shape_cast %reduce_min3A_1248 : vector<2048xf32> to vector<1x2048xf32>
      %iota3A = tpu.iota {dimensions = array<i32: 0>} : vector<4x2048xi32>
      %eq3A_1250 = vector.broadcast %broadcast_in_dim3A_1249 : vector<1x2048xf32> to vector<4x2048xf32>
      %eq3A_1251 = arith.cmpf oeq, %select_n3A_1247, %eq3A_1250 : vector<4x2048xf32>
      %jit3A_1252 = arith.constant 4 : i32
      %broadcast_in_dim3A_1253 = vector.broadcast %jit3A_1252 : i32 to vector<4x2048xi32>
      %select_n3A_1254 = arith.select %eq3A_1251, %iota3A, %broadcast_in_dim3A_1253 : vector<4x2048xi1>, vector<4x2048xi32>
      %reduce_min3A_1255 = arith.constant dense<2147483647> : vector<2048xi32>
      %reduce_min3A_1256 = vector.multi_reduction <minsi>, %select_n3A_1254, %reduce_min3A_1255 [0] : vector<4x2048xi32> to vector<2048xi32>
      %broadcast_in_dim3A_1257 = vector.shape_cast %reduce_min3A_1256 : vector<2048xi32> to vector<1x2048xi32>
      %div3A_1258 = arith.constant 1.000000e+02 : f32
      %div3A_1259 = vector.broadcast %div3A_1258 : f32 to vector<1x2048xf32>
      %div3A_1260 = arith.divf %broadcast_in_dim3A_1249, %div3A_1259 : vector<1x2048xf32>
      %add3A_1261 = arith.addf %broadcast_in_dim3A_1249, %div3A_1260 : vector<1x2048xf32>
      %cos3A = math.cos %add3A_1261 : vector<1x2048xf32>
      %sin3A = math.sin %add3A_1261 : vector<1x2048xf32>
      %mul3A_1262 = arith.mulf %cos3A, %sub3A_1168 : vector<1x2048xf32>
      %sub3A_1263 = arith.subf %sub3A_1157, %mul3A_1262 : vector<1x2048xf32>
      %mul3A_1264 = arith.mulf %sqrt3A_1176, %sin3A : vector<1x2048xf32>
      %mul3A_1265 = arith.mulf %mul3A_1264, %scan3A_1089 : vector<1x2048xf32>
      %add3A_1266 = arith.addf %sub3A_1263, %mul3A_1265 : vector<1x2048xf32>
      %mul3A_1267 = arith.mulf %cos3A, %sub3A_1169 : vector<1x2048xf32>
      %sub3A_1268 = arith.subf %sub3A_1162, %mul3A_1267 : vector<1x2048xf32>
      %mul3A_1269 = arith.mulf %sqrt3A_1176, %sin3A : vector<1x2048xf32>
      %mul3A_1270 = arith.mulf %mul3A_1269, %scan3A_1090 : vector<1x2048xf32>
      %add3A_1271 = arith.addf %sub3A_1268, %mul3A_1270 : vector<1x2048xf32>
      %mul3A_1272 = arith.mulf %cos3A, %sub3A_1170 : vector<1x2048xf32>
      %sub3A_1273 = arith.subf %sub3A_1167, %mul3A_1272 : vector<1x2048xf32>
      %mul3A_1274 = arith.mulf %sqrt3A_1176, %sin3A : vector<1x2048xf32>
      %mul3A_1275 = arith.mulf %mul3A_1274, %scan3A_1091 : vector<1x2048xf32>
      %add3A_1276 = arith.addf %sub3A_1273, %mul3A_1275 : vector<1x2048xf32>
      %mul3A_1277 = arith.mulf %cos3A, %scan3A_1089 : vector<1x2048xf32>
      %div3A_1278 = arith.divf %sin3A, %sqrt3A_1176 : vector<1x2048xf32>
      %mul3A_1279 = arith.mulf %div3A_1278, %sub3A_1168 : vector<1x2048xf32>
      %add3A_1280 = arith.addf %mul3A_1277, %mul3A_1279 : vector<1x2048xf32>
      %mul3A_1281 = arith.mulf %cos3A, %scan3A_1090 : vector<1x2048xf32>
      %div3A_1282 = arith.divf %sin3A, %sqrt3A_1176 : vector<1x2048xf32>
      %mul3A_1283 = arith.mulf %div3A_1282, %sub3A_1169 : vector<1x2048xf32>
      %add3A_1284 = arith.addf %mul3A_1281, %mul3A_1283 : vector<1x2048xf32>
      %mul3A_1285 = arith.mulf %cos3A, %scan3A_1091 : vector<1x2048xf32>
      %div3A_1286 = arith.divf %sin3A, %sqrt3A_1176 : vector<1x2048xf32>
      %mul3A_1287 = arith.mulf %div3A_1286, %sub3A_1170 : vector<1x2048xf32>
      %add3A_1288 = arith.addf %mul3A_1285, %mul3A_1287 : vector<1x2048xf32>
      %eq3A_1289 = vector.broadcast %broadcast_in_dim3A_1257 : vector<1x2048xi32> to vector<4x2048xi32>
      %eq3A_1290 = arith.cmpi eq, %iota3A, %eq3A_1289 : vector<4x2048xi32>
      %convert_element_type3A_1291 = arith.extui %eq3A_1290 : vector<4x2048xi1> to vector<4x2048xi32>
      %convert_element_type3A_1292 = arith.sitofp %convert_element_type3A_1291 : vector<4x2048xi32> to vector<4x2048xf32>
      %slice3A_1293 = vector.extract_strided_slice %scan3A_1105 {offsets = [20, 0], sizes = [4, 2048], strides = [1, 1]} : vector<28x2048xf32> to vector<4x2048xf32>
      %mul3A_1294 = arith.mulf %convert_element_type3A_1292, %slice3A_1293 : vector<4x2048xf32>
      %reduce_sum3A = arith.constant dense<0.000000e+00> : vector<2048xf32>
      %reduce_sum3A_1295 = vector.multi_reduction <add>, %mul3A_1294, %reduce_sum3A [0] : vector<4x2048xf32> to vector<2048xf32>
      %broadcast_in_dim3A_1296 = vector.shape_cast %reduce_sum3A_1295 : vector<2048xf32> to vector<1x2048xf32>
      %slice3A_1297 = vector.extract_strided_slice %scan3A_1105 {offsets = [24, 0], sizes = [4, 2048], strides = [1, 1]} : vector<28x2048xf32> to vector<4x2048xf32>
      %mul3A_1298 = arith.mulf %convert_element_type3A_1292, %slice3A_1297 : vector<4x2048xf32>
      %reduce_sum3A_1299 = arith.constant dense<0.000000e+00> : vector<2048xf32>
      %reduce_sum3A_1300 = vector.multi_reduction <add>, %mul3A_1298, %reduce_sum3A_1299 [0] : vector<4x2048xf32> to vector<2048xf32>
      %broadcast_in_dim3A_1301 = vector.shape_cast %reduce_sum3A_1300 : vector<2048xf32> to vector<1x2048xf32>
      %lt3A_1302 = arith.constant 0 : i32
      %lt3A_1303 = vector.broadcast %lt3A_1302 : i32 to vector<1x2048xi32>
      %lt3A_1304 = arith.cmpi slt, %scan3A_1085, %lt3A_1303 : vector<1x2048xi32>
      %select_n3A_1305 = arith.select %lt3A_1304, %broadcast_in_dim3A_1301, %broadcast_in_dim3A_1296 : vector<1x2048xi1>, vector<1x2048xf32>
      %convert_element_type3A_1306 = arith.fptosi %select_n3A_1305 : vector<1x2048xf32> to vector<1x2048xi32>
      %sub3A_1307 = arith.subf %scan3A_1086, %add3A_1266 : vector<1x2048xf32>
      %sub3A_1308 = arith.subf %scan3A_1087, %add3A_1271 : vector<1x2048xf32>
      %sub3A_1309 = arith.subf %scan3A_1088, %add3A_1276 : vector<1x2048xf32>
      %mul3A_1310 = arith.mulf %sub3A_1307, %sub3A_1307 : vector<1x2048xf32>
      %mul3A_1311 = arith.mulf %sub3A_1308, %sub3A_1308 : vector<1x2048xf32>
      %add3A_1312 = arith.addf %mul3A_1310, %mul3A_1311 : vector<1x2048xf32>
      %mul3A_1313 = arith.mulf %sub3A_1309, %sub3A_1309 : vector<1x2048xf32>
      %add3A_1314 = arith.addf %add3A_1312, %mul3A_1313 : vector<1x2048xf32>
      %sqrt3A_1315 = math.sqrt %add3A_1314 : vector<1x2048xf32>
      %add3A_1316 = arith.addf %scan3A_1092, %sqrt3A_1315 : vector<1x2048xf32>
      %add3A_1317 = arith.constant 1 : i32
      %add3A_1318 = arith.addi %scan3A_1084, %add3A_1317 : i32
      %swap3A_1319 = arith.index_cast %add3A_1318 : i32 to index
      %swap3A_1320 = arith.constant 0 : index
      %swap3A_1321 = vector.load %arg6[%swap3A_1319, %swap3A_1320] : memref<24x2048xf32, #tpu.memory_space<vmem>>, vector<1x2048xf32>
      tpu.vector_store %arg6[%swap3A_1319, %swap3A_1320], %add3A_1316 {strides = array<i32>} : memref<24x2048xf32, #tpu.memory_space<vmem>>, vector<1x2048xf32>,
      %add3A_1322 = arith.constant 1 : i32
      %add3A_1323 = arith.addi %scan3A_1084, %add3A_1322 : i32
      %swap3A_1324 = arith.index_cast %add3A_1323 : i32 to index
      %swap3A_1325 = arith.constant 0 : index
      %swap3A_1326 = vector.load %arg7[%swap3A_1324, %swap3A_1325] : memref<24x2048xf32, #tpu.memory_space<vmem>>, vector<1x2048xf32>
      tpu.vector_store %arg7[%swap3A_1324, %swap3A_1325], %add3A_1266 {strides = array<i32>} : memref<24x2048xf32, #tpu.memory_space<vmem>>, vector<1x2048xf32>,
      %add3A_1327 = arith.constant 1 : i32
      %add3A_1328 = arith.addi %scan3A_1084, %add3A_1327 : i32
      %swap3A_1329 = arith.index_cast %add3A_1328 : i32 to index
      %swap3A_1330 = arith.constant 0 : index
      %swap3A_1331 = vector.load %arg8[%swap3A_1329, %swap3A_1330] : memref<24x2048xf32, #tpu.memory_space<vmem>>, vector<1x2048xf32>
      tpu.vector_store %arg8[%swap3A_1329, %swap3A_1330], %add3A_1271 {strides = array<i32>} : memref<24x2048xf32, #tpu.memory_space<vmem>>, vector<1x2048xf32>,
      %add3A_1332 = arith.constant 1 : i32
      %add3A_1333 = arith.addi %scan3A_1084, %add3A_1332 : i32
      %swap3A_1334 = arith.index_cast %add3A_1333 : i32 to index
      %swap3A_1335 = arith.constant 0 : index
      %swap3A_1336 = vector.load %arg9[%swap3A_1334, %swap3A_1335] : memref<24x2048xf32, #tpu.memory_space<vmem>>, vector<1x2048xf32>
      tpu.vector_store %arg9[%swap3A_1334, %swap3A_1335], %add3A_1276 {strides = array<i32>} : memref<24x2048xf32, #tpu.memory_space<vmem>>, vector<1x2048xf32>,
      scf.yield %convert_element_type3A_1306, %add3A_1266, %add3A_1271, %add3A_1276, %add3A_1280, %add3A_1284, %add3A_1288, %add3A_1316 : vector<1x2048xi32>, vector<1x2048xf32>, vector<1x2048xf32>, vector<1x2048xf32>, vector<1x2048xf32>, vector<1x2048xf32>, vector<1x2048xf32>, vector<1x2048xf32>
    }
    %scan3A_42 = arith.constant 16 : i32
    %get3A_43 = arith.constant 0 : index
    %get3A_44 = arith.constant 0 : index
    %get3A_45 = vector.load %arg4[%get3A_43, %get3A_44] : memref<64x1xf32, #tpu.memory_space<vmem>>, vector<64x1xf32>
    %broadcast_in_dim3A_46 = arith.constant 0 : i32
    %broadcast_in_dim3A_47 = vector.broadcast %broadcast_in_dim3A_46 : i32 to vector<64x2048xi32>
    %get3A_48 = arith.constant 0 : index
    %get3A_49 = arith.constant 0 : index
    %get3A_50 = vector.load %arg6[%get3A_48, %get3A_49] : memref<24x2048xf32, #tpu.memory_space<vmem>>, vector<1x2048xf32>
    %le3A = vector.broadcast %get3A_50 : vector<1x2048xf32> to vector<64x2048xf32>
    %le3A_51 = vector.broadcast %get3A_45 : vector<64x1xf32> to vector<64x2048xf32>
    %le3A_52 = arith.cmpf ole, %le3A, %le3A_51 : vector<64x2048xf32>
    %convert_element_type3A = arith.extui %le3A_52 : vector<64x2048xi1> to vector<64x2048xi32>
    %add3A = arith.addi %broadcast_in_dim3A_47, %convert_element_type3A : vector<64x2048xi32>
    %get3A_53 = arith.constant 1 : index
    %get3A_54 = arith.constant 0 : index
    %get3A_55 = vector.load %arg6[%get3A_53, %get3A_54] : memref<24x2048xf32, #tpu.memory_space<vmem>>, vector<1x2048xf32>
    %le3A_56 = vector.broadcast %get3A_55 : vector<1x2048xf32> to vector<64x2048xf32>
    %le3A_57 = vector.broadcast %get3A_45 : vector<64x1xf32> to vector<64x2048xf32>
    %le3A_58 = arith.cmpf ole, %le3A_56, %le3A_57 : vector<64x2048xf32>
    %convert_element_type3A_59 = arith.extui %le3A_58 : vector<64x2048xi1> to vector<64x2048xi32>
    %add3A_60 = arith.addi %add3A, %convert_element_type3A_59 : vector<64x2048xi32>
    %get3A_61 = arith.constant 2 : index
    %get3A_62 = arith.constant 0 : index
    %get3A_63 = vector.load %arg6[%get3A_61, %get3A_62] : memref<24x2048xf32, #tpu.memory_space<vmem>>, vector<1x2048xf32>
    %le3A_64 = vector.broadcast %get3A_63 : vector<1x2048xf32> to vector<64x2048xf32>
    %le3A_65 = vector.broadcast %get3A_45 : vector<64x1xf32> to vector<64x2048xf32>
    %le3A_66 = arith.cmpf ole, %le3A_64, %le3A_65 : vector<64x2048xf32>
    %convert_element_type3A_67 = arith.extui %le3A_66 : vector<64x2048xi1> to vector<64x2048xi32>
    %add3A_68 = arith.addi %add3A_60, %convert_element_type3A_67 : vector<64x2048xi32>
    %get3A_69 = arith.constant 3 : index
    %get3A_70 = arith.constant 0 : index
    %get3A_71 = vector.load %arg6[%get3A_69, %get3A_70] : memref<24x2048xf32, #tpu.memory_space<vmem>>, vector<1x2048xf32>
    %le3A_72 = vector.broadcast %get3A_71 : vector<1x2048xf32> to vector<64x2048xf32>
    %le3A_73 = vector.broadcast %get3A_45 : vector<64x1xf32> to vector<64x2048xf32>
    %le3A_74 = arith.cmpf ole, %le3A_72, %le3A_73 : vector<64x2048xf32>
    %convert_element_type3A_75 = arith.extui %le3A_74 : vector<64x2048xi1> to vector<64x2048xi32>
    %add3A_76 = arith.addi %add3A_68, %convert_element_type3A_75 : vector<64x2048xi32>
    %get3A_77 = arith.constant 4 : index
    %get3A_78 = arith.constant 0 : index
    %get3A_79 = vector.load %arg6[%get3A_77, %get3A_78] : memref<24x2048xf32, #tpu.memory_space<vmem>>, vector<1x2048xf32>
    %le3A_80 = vector.broadcast %get3A_79 : vector<1x2048xf32> to vector<64x2048xf32>
    %le3A_81 = vector.broadcast %get3A_45 : vector<64x1xf32> to vector<64x2048xf32>
    %le3A_82 = arith.cmpf ole, %le3A_80, %le3A_81 : vector<64x2048xf32>
    %convert_element_type3A_83 = arith.extui %le3A_82 : vector<64x2048xi1> to vector<64x2048xi32>
    %add3A_84 = arith.addi %add3A_76, %convert_element_type3A_83 : vector<64x2048xi32>
    %get3A_85 = arith.constant 5 : index
    %get3A_86 = arith.constant 0 : index
    %get3A_87 = vector.load %arg6[%get3A_85, %get3A_86] : memref<24x2048xf32, #tpu.memory_space<vmem>>, vector<1x2048xf32>
    %le3A_88 = vector.broadcast %get3A_87 : vector<1x2048xf32> to vector<64x2048xf32>
    %le3A_89 = vector.broadcast %get3A_45 : vector<64x1xf32> to vector<64x2048xf32>
    %le3A_90 = arith.cmpf ole, %le3A_88, %le3A_89 : vector<64x2048xf32>
    %convert_element_type3A_91 = arith.extui %le3A_90 : vector<64x2048xi1> to vector<64x2048xi32>
    %add3A_92 = arith.addi %add3A_84, %convert_element_type3A_91 : vector<64x2048xi32>
    %get3A_93 = arith.constant 6 : index
    %get3A_94 = arith.constant 0 : index
    %get3A_95 = vector.load %arg6[%get3A_93, %get3A_94] : memref<24x2048xf32, #tpu.memory_space<vmem>>, vector<1x2048xf32>
    %le3A_96 = vector.broadcast %get3A_95 : vector<1x2048xf32> to vector<64x2048xf32>
    %le3A_97 = vector.broadcast %get3A_45 : vector<64x1xf32> to vector<64x2048xf32>
    %le3A_98 = arith.cmpf ole, %le3A_96, %le3A_97 : vector<64x2048xf32>
    %convert_element_type3A_99 = arith.extui %le3A_98 : vector<64x2048xi1> to vector<64x2048xi32>
    %add3A_100 = arith.addi %add3A_92, %convert_element_type3A_99 : vector<64x2048xi32>
    %get3A_101 = arith.constant 7 : index
    %get3A_102 = arith.constant 0 : index
    %get3A_103 = vector.load %arg6[%get3A_101, %get3A_102] : memref<24x2048xf32, #tpu.memory_space<vmem>>, vector<1x2048xf32>
    %le3A_104 = vector.broadcast %get3A_103 : vector<1x2048xf32> to vector<64x2048xf32>
    %le3A_105 = vector.broadcast %get3A_45 : vector<64x1xf32> to vector<64x2048xf32>
    %le3A_106 = arith.cmpf ole, %le3A_104, %le3A_105 : vector<64x2048xf32>
    %convert_element_type3A_107 = arith.extui %le3A_106 : vector<64x2048xi1> to vector<64x2048xi32>
    %add3A_108 = arith.addi %add3A_100, %convert_element_type3A_107 : vector<64x2048xi32>
    %get3A_109 = arith.constant 8 : index
    %get3A_110 = arith.constant 0 : index
    %get3A_111 = vector.load %arg6[%get3A_109, %get3A_110] : memref<24x2048xf32, #tpu.memory_space<vmem>>, vector<1x2048xf32>
    %le3A_112 = vector.broadcast %get3A_111 : vector<1x2048xf32> to vector<64x2048xf32>
    %le3A_113 = vector.broadcast %get3A_45 : vector<64x1xf32> to vector<64x2048xf32>
    %le3A_114 = arith.cmpf ole, %le3A_112, %le3A_113 : vector<64x2048xf32>
    %convert_element_type3A_115 = arith.extui %le3A_114 : vector<64x2048xi1> to vector<64x2048xi32>
    %add3A_116 = arith.addi %add3A_108, %convert_element_type3A_115 : vector<64x2048xi32>
    %get3A_117 = arith.constant 9 : index
    %get3A_118 = arith.constant 0 : index
    %get3A_119 = vector.load %arg6[%get3A_117, %get3A_118] : memref<24x2048xf32, #tpu.memory_space<vmem>>, vector<1x2048xf32>
    %le3A_120 = vector.broadcast %get3A_119 : vector<1x2048xf32> to vector<64x2048xf32>
    %le3A_121 = vector.broadcast %get3A_45 : vector<64x1xf32> to vector<64x2048xf32>
    %le3A_122 = arith.cmpf ole, %le3A_120, %le3A_121 : vector<64x2048xf32>
    %convert_element_type3A_123 = arith.extui %le3A_122 : vector<64x2048xi1> to vector<64x2048xi32>
    %add3A_124 = arith.addi %add3A_116, %convert_element_type3A_123 : vector<64x2048xi32>
    %get3A_125 = arith.constant 10 : index
    %get3A_126 = arith.constant 0 : index
    %get3A_127 = vector.load %arg6[%get3A_125, %get3A_126] : memref<24x2048xf32, #tpu.memory_space<vmem>>, vector<1x2048xf32>
    %le3A_128 = vector.broadcast %get3A_127 : vector<1x2048xf32> to vector<64x2048xf32>
    %le3A_129 = vector.broadcast %get3A_45 : vector<64x1xf32> to vector<64x2048xf32>
    %le3A_130 = arith.cmpf ole, %le3A_128, %le3A_129 : vector<64x2048xf32>
    %convert_element_type3A_131 = arith.extui %le3A_130 : vector<64x2048xi1> to vector<64x2048xi32>
    %add3A_132 = arith.addi %add3A_124, %convert_element_type3A_131 : vector<64x2048xi32>
    %get3A_133 = arith.constant 11 : index
    %get3A_134 = arith.constant 0 : index
    %get3A_135 = vector.load %arg6[%get3A_133, %get3A_134] : memref<24x2048xf32, #tpu.memory_space<vmem>>, vector<1x2048xf32>
    %le3A_136 = vector.broadcast %get3A_135 : vector<1x2048xf32> to vector<64x2048xf32>
    %le3A_137 = vector.broadcast %get3A_45 : vector<64x1xf32> to vector<64x2048xf32>
    %le3A_138 = arith.cmpf ole, %le3A_136, %le3A_137 : vector<64x2048xf32>
    %convert_element_type3A_139 = arith.extui %le3A_138 : vector<64x2048xi1> to vector<64x2048xi32>
    %add3A_140 = arith.addi %add3A_132, %convert_element_type3A_139 : vector<64x2048xi32>
    %get3A_141 = arith.constant 12 : index
    %get3A_142 = arith.constant 0 : index
    %get3A_143 = vector.load %arg6[%get3A_141, %get3A_142] : memref<24x2048xf32, #tpu.memory_space<vmem>>, vector<1x2048xf32>
    %le3A_144 = vector.broadcast %get3A_143 : vector<1x2048xf32> to vector<64x2048xf32>
    %le3A_145 = vector.broadcast %get3A_45 : vector<64x1xf32> to vector<64x2048xf32>
    %le3A_146 = arith.cmpf ole, %le3A_144, %le3A_145 : vector<64x2048xf32>
    %convert_element_type3A_147 = arith.extui %le3A_146 : vector<64x2048xi1> to vector<64x2048xi32>
    %add3A_148 = arith.addi %add3A_140, %convert_element_type3A_147 : vector<64x2048xi32>
    %get3A_149 = arith.constant 13 : index
    %get3A_150 = arith.constant 0 : index
    %get3A_151 = vector.load %arg6[%get3A_149, %get3A_150] : memref<24x2048xf32, #tpu.memory_space<vmem>>, vector<1x2048xf32>
    %le3A_152 = vector.broadcast %get3A_151 : vector<1x2048xf32> to vector<64x2048xf32>
    %le3A_153 = vector.broadcast %get3A_45 : vector<64x1xf32> to vector<64x2048xf32>
    %le3A_154 = arith.cmpf ole, %le3A_152, %le3A_153 : vector<64x2048xf32>
    %convert_element_type3A_155 = arith.extui %le3A_154 : vector<64x2048xi1> to vector<64x2048xi32>
    %add3A_156 = arith.addi %add3A_148, %convert_element_type3A_155 : vector<64x2048xi32>
    %get3A_157 = arith.constant 14 : index
    %get3A_158 = arith.constant 0 : index
    %get3A_159 = vector.load %arg6[%get3A_157, %get3A_158] : memref<24x2048xf32, #tpu.memory_space<vmem>>, vector<1x2048xf32>
    %le3A_160 = vector.broadcast %get3A_159 : vector<1x2048xf32> to vector<64x2048xf32>
    %le3A_161 = vector.broadcast %get3A_45 : vector<64x1xf32> to vector<64x2048xf32>
    %le3A_162 = arith.cmpf ole, %le3A_160, %le3A_161 : vector<64x2048xf32>
    %convert_element_type3A_163 = arith.extui %le3A_162 : vector<64x2048xi1> to vector<64x2048xi32>
    %add3A_164 = arith.addi %add3A_156, %convert_element_type3A_163 : vector<64x2048xi32>
    %get3A_165 = arith.constant 15 : index
    %get3A_166 = arith.constant 0 : index
    %get3A_167 = vector.load %arg6[%get3A_165, %get3A_166] : memref<24x2048xf32, #tpu.memory_space<vmem>>, vector<1x2048xf32>
    %le3A_168 = vector.broadcast %get3A_167 : vector<1x2048xf32> to vector<64x2048xf32>
    %le3A_169 = vector.broadcast %get3A_45 : vector<64x1xf32> to vector<64x2048xf32>
    %le3A_170 = arith.cmpf ole, %le3A_168, %le3A_169 : vector<64x2048xf32>
    %convert_element_type3A_171 = arith.extui %le3A_170 : vector<64x2048xi1> to vector<64x2048xi32>
    %add3A_172 = arith.addi %add3A_164, %convert_element_type3A_171 : vector<64x2048xi32>
    %get3A_173 = arith.constant 16 : index
    %get3A_174 = arith.constant 0 : index
    %get3A_175 = vector.load %arg6[%get3A_173, %get3A_174] : memref<24x2048xf32, #tpu.memory_space<vmem>>, vector<1x2048xf32>
    %le3A_176 = vector.broadcast %get3A_175 : vector<1x2048xf32> to vector<64x2048xf32>
    %le3A_177 = vector.broadcast %get3A_45 : vector<64x1xf32> to vector<64x2048xf32>
    %le3A_178 = arith.cmpf ole, %le3A_176, %le3A_177 : vector<64x2048xf32>
    %convert_element_type3A_179 = arith.extui %le3A_178 : vector<64x2048xi1> to vector<64x2048xi32>
    %add3A_180 = arith.addi %add3A_172, %convert_element_type3A_179 : vector<64x2048xi32>
    %sub3A = arith.constant 1 : i32
    %sub3A_181 = vector.broadcast %sub3A : i32 to vector<64x2048xi32>
    %sub3A_182 = arith.subi %add3A_180, %sub3A_181 : vector<64x2048xi32>
    %jit3A_183 = arith.constant 0 : i32
    %jit3A_184 = arith.constant 15 : i32
    %max3A = vector.broadcast %jit3A_183 : i32 to vector<64x2048xi32>
    %max3A_185 = arith.maxsi %max3A, %sub3A_182 : vector<64x2048xi32>
    %min3A = vector.broadcast %jit3A_184 : i32 to vector<64x2048xi32>
    %min3A_186 = arith.minsi %min3A, %max3A_185 : vector<64x2048xi32>
    %broadcast_in_dim3A_187 = arith.constant 0.000000e+00 : f32
    %broadcast_in_dim3A_188 = vector.broadcast %broadcast_in_dim3A_187 : f32 to vector<64x2048xf32>
    %broadcast_in_dim3A_189 = arith.constant 0.000000e+00 : f32
    %broadcast_in_dim3A_190 = vector.broadcast %broadcast_in_dim3A_189 : f32 to vector<64x2048xf32>
    %broadcast_in_dim3A_191 = arith.constant 0.000000e+00 : f32
    %broadcast_in_dim3A_192 = vector.broadcast %broadcast_in_dim3A_191 : f32 to vector<64x2048xf32>
    %broadcast_in_dim3A_193 = arith.constant 0.000000e+00 : f32
    %broadcast_in_dim3A_194 = vector.broadcast %broadcast_in_dim3A_193 : f32 to vector<64x2048xf32>
    %broadcast_in_dim3A_195 = arith.constant 0.000000e+00 : f32
    %broadcast_in_dim3A_196 = vector.broadcast %broadcast_in_dim3A_195 : f32 to vector<64x2048xf32>
    %broadcast_in_dim3A_197 = arith.constant 0.000000e+00 : f32
    %broadcast_in_dim3A_198 = vector.broadcast %broadcast_in_dim3A_197 : f32 to vector<64x2048xf32>
    %broadcast_in_dim3A_199 = arith.constant 0.000000e+00 : f32
    %broadcast_in_dim3A_200 = vector.broadcast %broadcast_in_dim3A_199 : f32 to vector<64x2048xf32>
    %broadcast_in_dim3A_201 = arith.constant 0.000000e+00 : f32
    %broadcast_in_dim3A_202 = vector.broadcast %broadcast_in_dim3A_201 : f32 to vector<64x2048xf32>
    %eq3A = arith.constant 0 : i32
    %eq3A_203 = vector.broadcast %eq3A : i32 to vector<64x2048xi32>
    %eq3A_204 = arith.cmpi eq, %min3A_186, %eq3A_203 : vector<64x2048xi32>
    %convert_element_type3A_205 = arith.extui %eq3A_204 : vector<64x2048xi1> to vector<64x2048xi32>
    %convert_element_type3A_206 = arith.sitofp %convert_element_type3A_205 : vector<64x2048xi32> to vector<64x2048xf32>
    %get3A_207 = arith.constant 0 : index
    %get3A_208 = arith.constant 0 : index
    %get3A_209 = vector.load %arg6[%get3A_207, %get3A_208] : memref<24x2048xf32, #tpu.memory_space<vmem>>, vector<1x2048xf32>
    %mul3A = vector.broadcast %get3A_209 : vector<1x2048xf32> to vector<64x2048xf32>
    %mul3A_210 = arith.mulf %convert_element_type3A_206, %mul3A : vector<64x2048xf32>
    %add3A_211 = arith.addf %broadcast_in_dim3A_188, %mul3A_210 : vector<64x2048xf32>
    %get3A_212 = arith.constant 1 : index
    %get3A_213 = arith.constant 0 : index
    %get3A_214 = vector.load %arg6[%get3A_212, %get3A_213] : memref<24x2048xf32, #tpu.memory_space<vmem>>, vector<1x2048xf32>
    %mul3A_215 = vector.broadcast %get3A_214 : vector<1x2048xf32> to vector<64x2048xf32>
    %mul3A_216 = arith.mulf %convert_element_type3A_206, %mul3A_215 : vector<64x2048xf32>
    %add3A_217 = arith.addf %broadcast_in_dim3A_190, %mul3A_216 : vector<64x2048xf32>
    %get3A_218 = arith.constant 0 : index
    %get3A_219 = arith.constant 0 : index
    %get3A_220 = vector.load %arg7[%get3A_218, %get3A_219] : memref<24x2048xf32, #tpu.memory_space<vmem>>, vector<1x2048xf32>
    %mul3A_221 = vector.broadcast %get3A_220 : vector<1x2048xf32> to vector<64x2048xf32>
    %mul3A_222 = arith.mulf %convert_element_type3A_206, %mul3A_221 : vector<64x2048xf32>
    %add3A_223 = arith.addf %broadcast_in_dim3A_192, %mul3A_222 : vector<64x2048xf32>
    %get3A_224 = arith.constant 1 : index
    %get3A_225 = arith.constant 0 : index
    %get3A_226 = vector.load %arg7[%get3A_224, %get3A_225] : memref<24x2048xf32, #tpu.memory_space<vmem>>, vector<1x2048xf32>
    %mul3A_227 = vector.broadcast %get3A_226 : vector<1x2048xf32> to vector<64x2048xf32>
    %mul3A_228 = arith.mulf %convert_element_type3A_206, %mul3A_227 : vector<64x2048xf32>
    %add3A_229 = arith.addf %broadcast_in_dim3A_194, %mul3A_228 : vector<64x2048xf32>
    %get3A_230 = arith.constant 0 : index
    %get3A_231 = arith.constant 0 : index
    %get3A_232 = vector.load %arg8[%get3A_230, %get3A_231] : memref<24x2048xf32, #tpu.memory_space<vmem>>, vector<1x2048xf32>
    %mul3A_233 = vector.broadcast %get3A_232 : vector<1x2048xf32> to vector<64x2048xf32>
    %mul3A_234 = arith.mulf %convert_element_type3A_206, %mul3A_233 : vector<64x2048xf32>
    %add3A_235 = arith.addf %broadcast_in_dim3A_196, %mul3A_234 : vector<64x2048xf32>
    %get3A_236 = arith.constant 1 : index
    %get3A_237 = arith.constant 0 : index
    %get3A_238 = vector.load %arg8[%get3A_236, %get3A_237] : memref<24x2048xf32, #tpu.memory_space<vmem>>, vector<1x2048xf32>
    %mul3A_239 = vector.broadcast %get3A_238 : vector<1x2048xf32> to vector<64x2048xf32>
    %mul3A_240 = arith.mulf %convert_element_type3A_206, %mul3A_239 : vector<64x2048xf32>
    %add3A_241 = arith.addf %broadcast_in_dim3A_198, %mul3A_240 : vector<64x2048xf32>
    %get3A_242 = arith.constant 0 : index
    %get3A_243 = arith.constant 0 : index
    %get3A_244 = vector.load %arg9[%get3A_242, %get3A_243] : memref<24x2048xf32, #tpu.memory_space<vmem>>, vector<1x2048xf32>
    %mul3A_245 = vector.broadcast %get3A_244 : vector<1x2048xf32> to vector<64x2048xf32>
    %mul3A_246 = arith.mulf %convert_element_type3A_206, %mul3A_245 : vector<64x2048xf32>
    %add3A_247 = arith.addf %broadcast_in_dim3A_200, %mul3A_246 : vector<64x2048xf32>
    %get3A_248 = arith.constant 1 : index
    %get3A_249 = arith.constant 0 : index
    %get3A_250 = vector.load %arg9[%get3A_248, %get3A_249] : memref<24x2048xf32, #tpu.memory_space<vmem>>, vector<1x2048xf32>
    %mul3A_251 = vector.broadcast %get3A_250 : vector<1x2048xf32> to vector<64x2048xf32>
    %mul3A_252 = arith.mulf %convert_element_type3A_206, %mul3A_251 : vector<64x2048xf32>
    %add3A_253 = arith.addf %broadcast_in_dim3A_202, %mul3A_252 : vector<64x2048xf32>
    %eq3A_254 = arith.constant 1 : i32
    %eq3A_255 = vector.broadcast %eq3A_254 : i32 to vector<64x2048xi32>
    %eq3A_256 = arith.cmpi eq, %min3A_186, %eq3A_255 : vector<64x2048xi32>
    %convert_element_type3A_257 = arith.extui %eq3A_256 : vector<64x2048xi1> to vector<64x2048xi32>
    %convert_element_type3A_258 = arith.sitofp %convert_element_type3A_257 : vector<64x2048xi32> to vector<64x2048xf32>
    %get3A_259 = arith.constant 1 : index
    %get3A_260 = arith.constant 0 : index
    %get3A_261 = vector.load %arg6[%get3A_259, %get3A_260] : memref<24x2048xf32, #tpu.memory_space<vmem>>, vector<1x2048xf32>
    %mul3A_262 = vector.broadcast %get3A_261 : vector<1x2048xf32> to vector<64x2048xf32>
    %mul3A_263 = arith.mulf %convert_element_type3A_258, %mul3A_262 : vector<64x2048xf32>
    %add3A_264 = arith.addf %add3A_211, %mul3A_263 : vector<64x2048xf32>
    %get3A_265 = arith.constant 2 : index
    %get3A_266 = arith.constant 0 : index
    %get3A_267 = vector.load %arg6[%get3A_265, %get3A_266] : memref<24x2048xf32, #tpu.memory_space<vmem>>, vector<1x2048xf32>
    %mul3A_268 = vector.broadcast %get3A_267 : vector<1x2048xf32> to vector<64x2048xf32>
    %mul3A_269 = arith.mulf %convert_element_type3A_258, %mul3A_268 : vector<64x2048xf32>
    %add3A_270 = arith.addf %add3A_217, %mul3A_269 : vector<64x2048xf32>
    %get3A_271 = arith.constant 1 : index
    %get3A_272 = arith.constant 0 : index
    %get3A_273 = vector.load %arg7[%get3A_271, %get3A_272] : memref<24x2048xf32, #tpu.memory_space<vmem>>, vector<1x2048xf32>
    %mul3A_274 = vector.broadcast %get3A_273 : vector<1x2048xf32> to vector<64x2048xf32>
    %mul3A_275 = arith.mulf %convert_element_type3A_258, %mul3A_274 : vector<64x2048xf32>
    %add3A_276 = arith.addf %add3A_223, %mul3A_275 : vector<64x2048xf32>
    %get3A_277 = arith.constant 2 : index
    %get3A_278 = arith.constant 0 : index
    %get3A_279 = vector.load %arg7[%get3A_277, %get3A_278] : memref<24x2048xf32, #tpu.memory_space<vmem>>, vector<1x2048xf32>
    %mul3A_280 = vector.broadcast %get3A_279 : vector<1x2048xf32> to vector<64x2048xf32>
    %mul3A_281 = arith.mulf %convert_element_type3A_258, %mul3A_280 : vector<64x2048xf32>
    %add3A_282 = arith.addf %add3A_229, %mul3A_281 : vector<64x2048xf32>
    %get3A_283 = arith.constant 1 : index
    %get3A_284 = arith.constant 0 : index
    %get3A_285 = vector.load %arg8[%get3A_283, %get3A_284] : memref<24x2048xf32, #tpu.memory_space<vmem>>, vector<1x2048xf32>
    %mul3A_286 = vector.broadcast %get3A_285 : vector<1x2048xf32> to vector<64x2048xf32>
    %mul3A_287 = arith.mulf %convert_element_type3A_258, %mul3A_286 : vector<64x2048xf32>
    %add3A_288 = arith.addf %add3A_235, %mul3A_287 : vector<64x2048xf32>
    %get3A_289 = arith.constant 2 : index
    %get3A_290 = arith.constant 0 : index
    %get3A_291 = vector.load %arg8[%get3A_289, %get3A_290] : memref<24x2048xf32, #tpu.memory_space<vmem>>, vector<1x2048xf32>
    %mul3A_292 = vector.broadcast %get3A_291 : vector<1x2048xf32> to vector<64x2048xf32>
    %mul3A_293 = arith.mulf %convert_element_type3A_258, %mul3A_292 : vector<64x2048xf32>
    %add3A_294 = arith.addf %add3A_241, %mul3A_293 : vector<64x2048xf32>
    %get3A_295 = arith.constant 1 : index
    %get3A_296 = arith.constant 0 : index
    %get3A_297 = vector.load %arg9[%get3A_295, %get3A_296] : memref<24x2048xf32, #tpu.memory_space<vmem>>, vector<1x2048xf32>
    %mul3A_298 = vector.broadcast %get3A_297 : vector<1x2048xf32> to vector<64x2048xf32>
    %mul3A_299 = arith.mulf %convert_element_type3A_258, %mul3A_298 : vector<64x2048xf32>
    %add3A_300 = arith.addf %add3A_247, %mul3A_299 : vector<64x2048xf32>
    %get3A_301 = arith.constant 2 : index
    %get3A_302 = arith.constant 0 : index
    %get3A_303 = vector.load %arg9[%get3A_301, %get3A_302] : memref<24x2048xf32, #tpu.memory_space<vmem>>, vector<1x2048xf32>
    %mul3A_304 = vector.broadcast %get3A_303 : vector<1x2048xf32> to vector<64x2048xf32>
    %mul3A_305 = arith.mulf %convert_element_type3A_258, %mul3A_304 : vector<64x2048xf32>
    %add3A_306 = arith.addf %add3A_253, %mul3A_305 : vector<64x2048xf32>
    %eq3A_307 = arith.constant 2 : i32
    %eq3A_308 = vector.broadcast %eq3A_307 : i32 to vector<64x2048xi32>
    %eq3A_309 = arith.cmpi eq, %min3A_186, %eq3A_308 : vector<64x2048xi32>
    %convert_element_type3A_310 = arith.extui %eq3A_309 : vector<64x2048xi1> to vector<64x2048xi32>
    %convert_element_type3A_311 = arith.sitofp %convert_element_type3A_310 : vector<64x2048xi32> to vector<64x2048xf32>
    %get3A_312 = arith.constant 2 : index
    %get3A_313 = arith.constant 0 : index
    %get3A_314 = vector.load %arg6[%get3A_312, %get3A_313] : memref<24x2048xf32, #tpu.memory_space<vmem>>, vector<1x2048xf32>
    %mul3A_315 = vector.broadcast %get3A_314 : vector<1x2048xf32> to vector<64x2048xf32>
    %mul3A_316 = arith.mulf %convert_element_type3A_311, %mul3A_315 : vector<64x2048xf32>
    %add3A_317 = arith.addf %add3A_264, %mul3A_316 : vector<64x2048xf32>
    %get3A_318 = arith.constant 3 : index
    %get3A_319 = arith.constant 0 : index
    %get3A_320 = vector.load %arg6[%get3A_318, %get3A_319] : memref<24x2048xf32, #tpu.memory_space<vmem>>, vector<1x2048xf32>
    %mul3A_321 = vector.broadcast %get3A_320 : vector<1x2048xf32> to vector<64x2048xf32>
    %mul3A_322 = arith.mulf %convert_element_type3A_311, %mul3A_321 : vector<64x2048xf32>
    %add3A_323 = arith.addf %add3A_270, %mul3A_322 : vector<64x2048xf32>
    %get3A_324 = arith.constant 2 : index
    %get3A_325 = arith.constant 0 : index
    %get3A_326 = vector.load %arg7[%get3A_324, %get3A_325] : memref<24x2048xf32, #tpu.memory_space<vmem>>, vector<1x2048xf32>
    %mul3A_327 = vector.broadcast %get3A_326 : vector<1x2048xf32> to vector<64x2048xf32>
    %mul3A_328 = arith.mulf %convert_element_type3A_311, %mul3A_327 : vector<64x2048xf32>
    %add3A_329 = arith.addf %add3A_276, %mul3A_328 : vector<64x2048xf32>
    %get3A_330 = arith.constant 3 : index
    %get3A_331 = arith.constant 0 : index
    %get3A_332 = vector.load %arg7[%get3A_330, %get3A_331] : memref<24x2048xf32, #tpu.memory_space<vmem>>, vector<1x2048xf32>
    %mul3A_333 = vector.broadcast %get3A_332 : vector<1x2048xf32> to vector<64x2048xf32>
    %mul3A_334 = arith.mulf %convert_element_type3A_311, %mul3A_333 : vector<64x2048xf32>
    %add3A_335 = arith.addf %add3A_282, %mul3A_334 : vector<64x2048xf32>
    %get3A_336 = arith.constant 2 : index
    %get3A_337 = arith.constant 0 : index
    %get3A_338 = vector.load %arg8[%get3A_336, %get3A_337] : memref<24x2048xf32, #tpu.memory_space<vmem>>, vector<1x2048xf32>
    %mul3A_339 = vector.broadcast %get3A_338 : vector<1x2048xf32> to vector<64x2048xf32>
    %mul3A_340 = arith.mulf %convert_element_type3A_311, %mul3A_339 : vector<64x2048xf32>
    %add3A_341 = arith.addf %add3A_288, %mul3A_340 : vector<64x2048xf32>
    %get3A_342 = arith.constant 3 : index
    %get3A_343 = arith.constant 0 : index
    %get3A_344 = vector.load %arg8[%get3A_342, %get3A_343] : memref<24x2048xf32, #tpu.memory_space<vmem>>, vector<1x2048xf32>
    %mul3A_345 = vector.broadcast %get3A_344 : vector<1x2048xf32> to vector<64x2048xf32>
    %mul3A_346 = arith.mulf %convert_element_type3A_311, %mul3A_345 : vector<64x2048xf32>
    %add3A_347 = arith.addf %add3A_294, %mul3A_346 : vector<64x2048xf32>
    %get3A_348 = arith.constant 2 : index
    %get3A_349 = arith.constant 0 : index
    %get3A_350 = vector.load %arg9[%get3A_348, %get3A_349] : memref<24x2048xf32, #tpu.memory_space<vmem>>, vector<1x2048xf32>
    %mul3A_351 = vector.broadcast %get3A_350 : vector<1x2048xf32> to vector<64x2048xf32>
    %mul3A_352 = arith.mulf %convert_element_type3A_311, %mul3A_351 : vector<64x2048xf32>
    %add3A_353 = arith.addf %add3A_300, %mul3A_352 : vector<64x2048xf32>
    %get3A_354 = arith.constant 3 : index
    %get3A_355 = arith.constant 0 : index
    %get3A_356 = vector.load %arg9[%get3A_354, %get3A_355] : memref<24x2048xf32, #tpu.memory_space<vmem>>, vector<1x2048xf32>
    %mul3A_357 = vector.broadcast %get3A_356 : vector<1x2048xf32> to vector<64x2048xf32>
    %mul3A_358 = arith.mulf %convert_element_type3A_311, %mul3A_357 : vector<64x2048xf32>
    %add3A_359 = arith.addf %add3A_306, %mul3A_358 : vector<64x2048xf32>
    %eq3A_360 = arith.constant 3 : i32
    %eq3A_361 = vector.broadcast %eq3A_360 : i32 to vector<64x2048xi32>
    %eq3A_362 = arith.cmpi eq, %min3A_186, %eq3A_361 : vector<64x2048xi32>
    %convert_element_type3A_363 = arith.extui %eq3A_362 : vector<64x2048xi1> to vector<64x2048xi32>
    %convert_element_type3A_364 = arith.sitofp %convert_element_type3A_363 : vector<64x2048xi32> to vector<64x2048xf32>
    %get3A_365 = arith.constant 3 : index
    %get3A_366 = arith.constant 0 : index
    %get3A_367 = vector.load %arg6[%get3A_365, %get3A_366] : memref<24x2048xf32, #tpu.memory_space<vmem>>, vector<1x2048xf32>
    %mul3A_368 = vector.broadcast %get3A_367 : vector<1x2048xf32> to vector<64x2048xf32>
    %mul3A_369 = arith.mulf %convert_element_type3A_364, %mul3A_368 : vector<64x2048xf32>
    %add3A_370 = arith.addf %add3A_317, %mul3A_369 : vector<64x2048xf32>
    %get3A_371 = arith.constant 4 : index
    %get3A_372 = arith.constant 0 : index
    %get3A_373 = vector.load %arg6[%get3A_371, %get3A_372] : memref<24x2048xf32, #tpu.memory_space<vmem>>, vector<1x2048xf32>
    %mul3A_374 = vector.broadcast %get3A_373 : vector<1x2048xf32> to vector<64x2048xf32>
    %mul3A_375 = arith.mulf %convert_element_type3A_364, %mul3A_374 : vector<64x2048xf32>
    %add3A_376 = arith.addf %add3A_323, %mul3A_375 : vector<64x2048xf32>
    %get3A_377 = arith.constant 3 : index
    %get3A_378 = arith.constant 0 : index
    %get3A_379 = vector.load %arg7[%get3A_377, %get3A_378] : memref<24x2048xf32, #tpu.memory_space<vmem>>, vector<1x2048xf32>
    %mul3A_380 = vector.broadcast %get3A_379 : vector<1x2048xf32> to vector<64x2048xf32>
    %mul3A_381 = arith.mulf %convert_element_type3A_364, %mul3A_380 : vector<64x2048xf32>
    %add3A_382 = arith.addf %add3A_329, %mul3A_381 : vector<64x2048xf32>
    %get3A_383 = arith.constant 4 : index
    %get3A_384 = arith.constant 0 : index
    %get3A_385 = vector.load %arg7[%get3A_383, %get3A_384] : memref<24x2048xf32, #tpu.memory_space<vmem>>, vector<1x2048xf32>
    %mul3A_386 = vector.broadcast %get3A_385 : vector<1x2048xf32> to vector<64x2048xf32>
    %mul3A_387 = arith.mulf %convert_element_type3A_364, %mul3A_386 : vector<64x2048xf32>
    %add3A_388 = arith.addf %add3A_335, %mul3A_387 : vector<64x2048xf32>
    %get3A_389 = arith.constant 3 : index
    %get3A_390 = arith.constant 0 : index
    %get3A_391 = vector.load %arg8[%get3A_389, %get3A_390] : memref<24x2048xf32, #tpu.memory_space<vmem>>, vector<1x2048xf32>
    %mul3A_392 = vector.broadcast %get3A_391 : vector<1x2048xf32> to vector<64x2048xf32>
    %mul3A_393 = arith.mulf %convert_element_type3A_364, %mul3A_392 : vector<64x2048xf32>
    %add3A_394 = arith.addf %add3A_341, %mul3A_393 : vector<64x2048xf32>
    %get3A_395 = arith.constant 4 : index
    %get3A_396 = arith.constant 0 : index
    %get3A_397 = vector.load %arg8[%get3A_395, %get3A_396] : memref<24x2048xf32, #tpu.memory_space<vmem>>, vector<1x2048xf32>
    %mul3A_398 = vector.broadcast %get3A_397 : vector<1x2048xf32> to vector<64x2048xf32>
    %mul3A_399 = arith.mulf %convert_element_type3A_364, %mul3A_398 : vector<64x2048xf32>
    %add3A_400 = arith.addf %add3A_347, %mul3A_399 : vector<64x2048xf32>
    %get3A_401 = arith.constant 3 : index
    %get3A_402 = arith.constant 0 : index
    %get3A_403 = vector.load %arg9[%get3A_401, %get3A_402] : memref<24x2048xf32, #tpu.memory_space<vmem>>, vector<1x2048xf32>
    %mul3A_404 = vector.broadcast %get3A_403 : vector<1x2048xf32> to vector<64x2048xf32>
    %mul3A_405 = arith.mulf %convert_element_type3A_364, %mul3A_404 : vector<64x2048xf32>
    %add3A_406 = arith.addf %add3A_353, %mul3A_405 : vector<64x2048xf32>
    %get3A_407 = arith.constant 4 : index
    %get3A_408 = arith.constant 0 : index
    %get3A_409 = vector.load %arg9[%get3A_407, %get3A_408] : memref<24x2048xf32, #tpu.memory_space<vmem>>, vector<1x2048xf32>
    %mul3A_410 = vector.broadcast %get3A_409 : vector<1x2048xf32> to vector<64x2048xf32>
    %mul3A_411 = arith.mulf %convert_element_type3A_364, %mul3A_410 : vector<64x2048xf32>
    %add3A_412 = arith.addf %add3A_359, %mul3A_411 : vector<64x2048xf32>
    %eq3A_413 = arith.constant 4 : i32
    %eq3A_414 = vector.broadcast %eq3A_413 : i32 to vector<64x2048xi32>
    %eq3A_415 = arith.cmpi eq, %min3A_186, %eq3A_414 : vector<64x2048xi32>
    %convert_element_type3A_416 = arith.extui %eq3A_415 : vector<64x2048xi1> to vector<64x2048xi32>
    %convert_element_type3A_417 = arith.sitofp %convert_element_type3A_416 : vector<64x2048xi32> to vector<64x2048xf32>
    %get3A_418 = arith.constant 4 : index
    %get3A_419 = arith.constant 0 : index
    %get3A_420 = vector.load %arg6[%get3A_418, %get3A_419] : memref<24x2048xf32, #tpu.memory_space<vmem>>, vector<1x2048xf32>
    %mul3A_421 = vector.broadcast %get3A_420 : vector<1x2048xf32> to vector<64x2048xf32>
    %mul3A_422 = arith.mulf %convert_element_type3A_417, %mul3A_421 : vector<64x2048xf32>
    %add3A_423 = arith.addf %add3A_370, %mul3A_422 : vector<64x2048xf32>
    %get3A_424 = arith.constant 5 : index
    %get3A_425 = arith.constant 0 : index
    %get3A_426 = vector.load %arg6[%get3A_424, %get3A_425] : memref<24x2048xf32, #tpu.memory_space<vmem>>, vector<1x2048xf32>
    %mul3A_427 = vector.broadcast %get3A_426 : vector<1x2048xf32> to vector<64x2048xf32>
    %mul3A_428 = arith.mulf %convert_element_type3A_417, %mul3A_427 : vector<64x2048xf32>
    %add3A_429 = arith.addf %add3A_376, %mul3A_428 : vector<64x2048xf32>
    %get3A_430 = arith.constant 4 : index
    %get3A_431 = arith.constant 0 : index
    %get3A_432 = vector.load %arg7[%get3A_430, %get3A_431] : memref<24x2048xf32, #tpu.memory_space<vmem>>, vector<1x2048xf32>
    %mul3A_433 = vector.broadcast %get3A_432 : vector<1x2048xf32> to vector<64x2048xf32>
    %mul3A_434 = arith.mulf %convert_element_type3A_417, %mul3A_433 : vector<64x2048xf32>
    %add3A_435 = arith.addf %add3A_382, %mul3A_434 : vector<64x2048xf32>
    %get3A_436 = arith.constant 5 : index
    %get3A_437 = arith.constant 0 : index
    %get3A_438 = vector.load %arg7[%get3A_436, %get3A_437] : memref<24x2048xf32, #tpu.memory_space<vmem>>, vector<1x2048xf32>
    %mul3A_439 = vector.broadcast %get3A_438 : vector<1x2048xf32> to vector<64x2048xf32>
    %mul3A_440 = arith.mulf %convert_element_type3A_417, %mul3A_439 : vector<64x2048xf32>
    %add3A_441 = arith.addf %add3A_388, %mul3A_440 : vector<64x2048xf32>
    %get3A_442 = arith.constant 4 : index
    %get3A_443 = arith.constant 0 : index
    %get3A_444 = vector.load %arg8[%get3A_442, %get3A_443] : memref<24x2048xf32, #tpu.memory_space<vmem>>, vector<1x2048xf32>
    %mul3A_445 = vector.broadcast %get3A_444 : vector<1x2048xf32> to vector<64x2048xf32>
    %mul3A_446 = arith.mulf %convert_element_type3A_417, %mul3A_445 : vector<64x2048xf32>
    %add3A_447 = arith.addf %add3A_394, %mul3A_446 : vector<64x2048xf32>
    %get3A_448 = arith.constant 5 : index
    %get3A_449 = arith.constant 0 : index
    %get3A_450 = vector.load %arg8[%get3A_448, %get3A_449] : memref<24x2048xf32, #tpu.memory_space<vmem>>, vector<1x2048xf32>
    %mul3A_451 = vector.broadcast %get3A_450 : vector<1x2048xf32> to vector<64x2048xf32>
    %mul3A_452 = arith.mulf %convert_element_type3A_417, %mul3A_451 : vector<64x2048xf32>
    %add3A_453 = arith.addf %add3A_400, %mul3A_452 : vector<64x2048xf32>
    %get3A_454 = arith.constant 4 : index
    %get3A_455 = arith.constant 0 : index
    %get3A_456 = vector.load %arg9[%get3A_454, %get3A_455] : memref<24x2048xf32, #tpu.memory_space<vmem>>, vector<1x2048xf32>
    %mul3A_457 = vector.broadcast %get3A_456 : vector<1x2048xf32> to vector<64x2048xf32>
    %mul3A_458 = arith.mulf %convert_element_type3A_417, %mul3A_457 : vector<64x2048xf32>
    %add3A_459 = arith.addf %add3A_406, %mul3A_458 : vector<64x2048xf32>
    %get3A_460 = arith.constant 5 : index
    %get3A_461 = arith.constant 0 : index
    %get3A_462 = vector.load %arg9[%get3A_460, %get3A_461] : memref<24x2048xf32, #tpu.memory_space<vmem>>, vector<1x2048xf32>
    %mul3A_463 = vector.broadcast %get3A_462 : vector<1x2048xf32> to vector<64x2048xf32>
    %mul3A_464 = arith.mulf %convert_element_type3A_417, %mul3A_463 : vector<64x2048xf32>
    %add3A_465 = arith.addf %add3A_412, %mul3A_464 : vector<64x2048xf32>
    %eq3A_466 = arith.constant 5 : i32
    %eq3A_467 = vector.broadcast %eq3A_466 : i32 to vector<64x2048xi32>
    %eq3A_468 = arith.cmpi eq, %min3A_186, %eq3A_467 : vector<64x2048xi32>
    %convert_element_type3A_469 = arith.extui %eq3A_468 : vector<64x2048xi1> to vector<64x2048xi32>
    %convert_element_type3A_470 = arith.sitofp %convert_element_type3A_469 : vector<64x2048xi32> to vector<64x2048xf32>
    %get3A_471 = arith.constant 5 : index
    %get3A_472 = arith.constant 0 : index
    %get3A_473 = vector.load %arg6[%get3A_471, %get3A_472] : memref<24x2048xf32, #tpu.memory_space<vmem>>, vector<1x2048xf32>
    %mul3A_474 = vector.broadcast %get3A_473 : vector<1x2048xf32> to vector<64x2048xf32>
    %mul3A_475 = arith.mulf %convert_element_type3A_470, %mul3A_474 : vector<64x2048xf32>
    %add3A_476 = arith.addf %add3A_423, %mul3A_475 : vector<64x2048xf32>
    %get3A_477 = arith.constant 6 : index
    %get3A_478 = arith.constant 0 : index
    %get3A_479 = vector.load %arg6[%get3A_477, %get3A_478] : memref<24x2048xf32, #tpu.memory_space<vmem>>, vector<1x2048xf32>
    %mul3A_480 = vector.broadcast %get3A_479 : vector<1x2048xf32> to vector<64x2048xf32>
    %mul3A_481 = arith.mulf %convert_element_type3A_470, %mul3A_480 : vector<64x2048xf32>
    %add3A_482 = arith.addf %add3A_429, %mul3A_481 : vector<64x2048xf32>
    %get3A_483 = arith.constant 5 : index
    %get3A_484 = arith.constant 0 : index
    %get3A_485 = vector.load %arg7[%get3A_483, %get3A_484] : memref<24x2048xf32, #tpu.memory_space<vmem>>, vector<1x2048xf32>
    %mul3A_486 = vector.broadcast %get3A_485 : vector<1x2048xf32> to vector<64x2048xf32>
    %mul3A_487 = arith.mulf %convert_element_type3A_470, %mul3A_486 : vector<64x2048xf32>
    %add3A_488 = arith.addf %add3A_435, %mul3A_487 : vector<64x2048xf32>
    %get3A_489 = arith.constant 6 : index
    %get3A_490 = arith.constant 0 : index
    %get3A_491 = vector.load %arg7[%get3A_489, %get3A_490] : memref<24x2048xf32, #tpu.memory_space<vmem>>, vector<1x2048xf32>
    %mul3A_492 = vector.broadcast %get3A_491 : vector<1x2048xf32> to vector<64x2048xf32>
    %mul3A_493 = arith.mulf %convert_element_type3A_470, %mul3A_492 : vector<64x2048xf32>
    %add3A_494 = arith.addf %add3A_441, %mul3A_493 : vector<64x2048xf32>
    %get3A_495 = arith.constant 5 : index
    %get3A_496 = arith.constant 0 : index
    %get3A_497 = vector.load %arg8[%get3A_495, %get3A_496] : memref<24x2048xf32, #tpu.memory_space<vmem>>, vector<1x2048xf32>
    %mul3A_498 = vector.broadcast %get3A_497 : vector<1x2048xf32> to vector<64x2048xf32>
    %mul3A_499 = arith.mulf %convert_element_type3A_470, %mul3A_498 : vector<64x2048xf32>
    %add3A_500 = arith.addf %add3A_447, %mul3A_499 : vector<64x2048xf32>
    %get3A_501 = arith.constant 6 : index
    %get3A_502 = arith.constant 0 : index
    %get3A_503 = vector.load %arg8[%get3A_501, %get3A_502] : memref<24x2048xf32, #tpu.memory_space<vmem>>, vector<1x2048xf32>
    %mul3A_504 = vector.broadcast %get3A_503 : vector<1x2048xf32> to vector<64x2048xf32>
    %mul3A_505 = arith.mulf %convert_element_type3A_470, %mul3A_504 : vector<64x2048xf32>
    %add3A_506 = arith.addf %add3A_453, %mul3A_505 : vector<64x2048xf32>
    %get3A_507 = arith.constant 5 : index
    %get3A_508 = arith.constant 0 : index
    %get3A_509 = vector.load %arg9[%get3A_507, %get3A_508] : memref<24x2048xf32, #tpu.memory_space<vmem>>, vector<1x2048xf32>
    %mul3A_510 = vector.broadcast %get3A_509 : vector<1x2048xf32> to vector<64x2048xf32>
    %mul3A_511 = arith.mulf %convert_element_type3A_470, %mul3A_510 : vector<64x2048xf32>
    %add3A_512 = arith.addf %add3A_459, %mul3A_511 : vector<64x2048xf32>
    %get3A_513 = arith.constant 6 : index
    %get3A_514 = arith.constant 0 : index
    %get3A_515 = vector.load %arg9[%get3A_513, %get3A_514] : memref<24x2048xf32, #tpu.memory_space<vmem>>, vector<1x2048xf32>
    %mul3A_516 = vector.broadcast %get3A_515 : vector<1x2048xf32> to vector<64x2048xf32>
    %mul3A_517 = arith.mulf %convert_element_type3A_470, %mul3A_516 : vector<64x2048xf32>
    %add3A_518 = arith.addf %add3A_465, %mul3A_517 : vector<64x2048xf32>
    %eq3A_519 = arith.constant 6 : i32
    %eq3A_520 = vector.broadcast %eq3A_519 : i32 to vector<64x2048xi32>
    %eq3A_521 = arith.cmpi eq, %min3A_186, %eq3A_520 : vector<64x2048xi32>
    %convert_element_type3A_522 = arith.extui %eq3A_521 : vector<64x2048xi1> to vector<64x2048xi32>
    %convert_element_type3A_523 = arith.sitofp %convert_element_type3A_522 : vector<64x2048xi32> to vector<64x2048xf32>
    %get3A_524 = arith.constant 6 : index
    %get3A_525 = arith.constant 0 : index
    %get3A_526 = vector.load %arg6[%get3A_524, %get3A_525] : memref<24x2048xf32, #tpu.memory_space<vmem>>, vector<1x2048xf32>
    %mul3A_527 = vector.broadcast %get3A_526 : vector<1x2048xf32> to vector<64x2048xf32>
    %mul3A_528 = arith.mulf %convert_element_type3A_523, %mul3A_527 : vector<64x2048xf32>
    %add3A_529 = arith.addf %add3A_476, %mul3A_528 : vector<64x2048xf32>
    %get3A_530 = arith.constant 7 : index
    %get3A_531 = arith.constant 0 : index
    %get3A_532 = vector.load %arg6[%get3A_530, %get3A_531] : memref<24x2048xf32, #tpu.memory_space<vmem>>, vector<1x2048xf32>
    %mul3A_533 = vector.broadcast %get3A_532 : vector<1x2048xf32> to vector<64x2048xf32>
    %mul3A_534 = arith.mulf %convert_element_type3A_523, %mul3A_533 : vector<64x2048xf32>
    %add3A_535 = arith.addf %add3A_482, %mul3A_534 : vector<64x2048xf32>
    %get3A_536 = arith.constant 6 : index
    %get3A_537 = arith.constant 0 : index
    %get3A_538 = vector.load %arg7[%get3A_536, %get3A_537] : memref<24x2048xf32, #tpu.memory_space<vmem>>, vector<1x2048xf32>
    %mul3A_539 = vector.broadcast %get3A_538 : vector<1x2048xf32> to vector<64x2048xf32>
    %mul3A_540 = arith.mulf %convert_element_type3A_523, %mul3A_539 : vector<64x2048xf32>
    %add3A_541 = arith.addf %add3A_488, %mul3A_540 : vector<64x2048xf32>
    %get3A_542 = arith.constant 7 : index
    %get3A_543 = arith.constant 0 : index
    %get3A_544 = vector.load %arg7[%get3A_542, %get3A_543] : memref<24x2048xf32, #tpu.memory_space<vmem>>, vector<1x2048xf32>
    %mul3A_545 = vector.broadcast %get3A_544 : vector<1x2048xf32> to vector<64x2048xf32>
    %mul3A_546 = arith.mulf %convert_element_type3A_523, %mul3A_545 : vector<64x2048xf32>
    %add3A_547 = arith.addf %add3A_494, %mul3A_546 : vector<64x2048xf32>
    %get3A_548 = arith.constant 6 : index
    %get3A_549 = arith.constant 0 : index
    %get3A_550 = vector.load %arg8[%get3A_548, %get3A_549] : memref<24x2048xf32, #tpu.memory_space<vmem>>, vector<1x2048xf32>
    %mul3A_551 = vector.broadcast %get3A_550 : vector<1x2048xf32> to vector<64x2048xf32>
    %mul3A_552 = arith.mulf %convert_element_type3A_523, %mul3A_551 : vector<64x2048xf32>
    %add3A_553 = arith.addf %add3A_500, %mul3A_552 : vector<64x2048xf32>
    %get3A_554 = arith.constant 7 : index
    %get3A_555 = arith.constant 0 : index
    %get3A_556 = vector.load %arg8[%get3A_554, %get3A_555] : memref<24x2048xf32, #tpu.memory_space<vmem>>, vector<1x2048xf32>
    %mul3A_557 = vector.broadcast %get3A_556 : vector<1x2048xf32> to vector<64x2048xf32>
    %mul3A_558 = arith.mulf %convert_element_type3A_523, %mul3A_557 : vector<64x2048xf32>
    %add3A_559 = arith.addf %add3A_506, %mul3A_558 : vector<64x2048xf32>
    %get3A_560 = arith.constant 6 : index
    %get3A_561 = arith.constant 0 : index
    %get3A_562 = vector.load %arg9[%get3A_560, %get3A_561] : memref<24x2048xf32, #tpu.memory_space<vmem>>, vector<1x2048xf32>
    %mul3A_563 = vector.broadcast %get3A_562 : vector<1x2048xf32> to vector<64x2048xf32>
    %mul3A_564 = arith.mulf %convert_element_type3A_523, %mul3A_563 : vector<64x2048xf32>
    %add3A_565 = arith.addf %add3A_512, %mul3A_564 : vector<64x2048xf32>
    %get3A_566 = arith.constant 7 : index
    %get3A_567 = arith.constant 0 : index
    %get3A_568 = vector.load %arg9[%get3A_566, %get3A_567] : memref<24x2048xf32, #tpu.memory_space<vmem>>, vector<1x2048xf32>
    %mul3A_569 = vector.broadcast %get3A_568 : vector<1x2048xf32> to vector<64x2048xf32>
    %mul3A_570 = arith.mulf %convert_element_type3A_523, %mul3A_569 : vector<64x2048xf32>
    %add3A_571 = arith.addf %add3A_518, %mul3A_570 : vector<64x2048xf32>
    %eq3A_572 = arith.constant 7 : i32
    %eq3A_573 = vector.broadcast %eq3A_572 : i32 to vector<64x2048xi32>
    %eq3A_574 = arith.cmpi eq, %min3A_186, %eq3A_573 : vector<64x2048xi32>
    %convert_element_type3A_575 = arith.extui %eq3A_574 : vector<64x2048xi1> to vector<64x2048xi32>
    %convert_element_type3A_576 = arith.sitofp %convert_element_type3A_575 : vector<64x2048xi32> to vector<64x2048xf32>
    %get3A_577 = arith.constant 7 : index
    %get3A_578 = arith.constant 0 : index
    %get3A_579 = vector.load %arg6[%get3A_577, %get3A_578] : memref<24x2048xf32, #tpu.memory_space<vmem>>, vector<1x2048xf32>
    %mul3A_580 = vector.broadcast %get3A_579 : vector<1x2048xf32> to vector<64x2048xf32>
    %mul3A_581 = arith.mulf %convert_element_type3A_576, %mul3A_580 : vector<64x2048xf32>
    %add3A_582 = arith.addf %add3A_529, %mul3A_581 : vector<64x2048xf32>
    %get3A_583 = arith.constant 8 : index
    %get3A_584 = arith.constant 0 : index
    %get3A_585 = vector.load %arg6[%get3A_583, %get3A_584] : memref<24x2048xf32, #tpu.memory_space<vmem>>, vector<1x2048xf32>
    %mul3A_586 = vector.broadcast %get3A_585 : vector<1x2048xf32> to vector<64x2048xf32>
    %mul3A_587 = arith.mulf %convert_element_type3A_576, %mul3A_586 : vector<64x2048xf32>
    %add3A_588 = arith.addf %add3A_535, %mul3A_587 : vector<64x2048xf32>
    %get3A_589 = arith.constant 7 : index
    %get3A_590 = arith.constant 0 : index
    %get3A_591 = vector.load %arg7[%get3A_589, %get3A_590] : memref<24x2048xf32, #tpu.memory_space<vmem>>, vector<1x2048xf32>
    %mul3A_592 = vector.broadcast %get3A_591 : vector<1x2048xf32> to vector<64x2048xf32>
    %mul3A_593 = arith.mulf %convert_element_type3A_576, %mul3A_592 : vector<64x2048xf32>
    %add3A_594 = arith.addf %add3A_541, %mul3A_593 : vector<64x2048xf32>
    %get3A_595 = arith.constant 8 : index
    %get3A_596 = arith.constant 0 : index
    %get3A_597 = vector.load %arg7[%get3A_595, %get3A_596] : memref<24x2048xf32, #tpu.memory_space<vmem>>, vector<1x2048xf32>
    %mul3A_598 = vector.broadcast %get3A_597 : vector<1x2048xf32> to vector<64x2048xf32>
    %mul3A_599 = arith.mulf %convert_element_type3A_576, %mul3A_598 : vector<64x2048xf32>
    %add3A_600 = arith.addf %add3A_547, %mul3A_599 : vector<64x2048xf32>
    %get3A_601 = arith.constant 7 : index
    %get3A_602 = arith.constant 0 : index
    %get3A_603 = vector.load %arg8[%get3A_601, %get3A_602] : memref<24x2048xf32, #tpu.memory_space<vmem>>, vector<1x2048xf32>
    %mul3A_604 = vector.broadcast %get3A_603 : vector<1x2048xf32> to vector<64x2048xf32>
    %mul3A_605 = arith.mulf %convert_element_type3A_576, %mul3A_604 : vector<64x2048xf32>
    %add3A_606 = arith.addf %add3A_553, %mul3A_605 : vector<64x2048xf32>
    %get3A_607 = arith.constant 8 : index
    %get3A_608 = arith.constant 0 : index
    %get3A_609 = vector.load %arg8[%get3A_607, %get3A_608] : memref<24x2048xf32, #tpu.memory_space<vmem>>, vector<1x2048xf32>
    %mul3A_610 = vector.broadcast %get3A_609 : vector<1x2048xf32> to vector<64x2048xf32>
    %mul3A_611 = arith.mulf %convert_element_type3A_576, %mul3A_610 : vector<64x2048xf32>
    %add3A_612 = arith.addf %add3A_559, %mul3A_611 : vector<64x2048xf32>
    %get3A_613 = arith.constant 7 : index
    %get3A_614 = arith.constant 0 : index
    %get3A_615 = vector.load %arg9[%get3A_613, %get3A_614] : memref<24x2048xf32, #tpu.memory_space<vmem>>, vector<1x2048xf32>
    %mul3A_616 = vector.broadcast %get3A_615 : vector<1x2048xf32> to vector<64x2048xf32>
    %mul3A_617 = arith.mulf %convert_element_type3A_576, %mul3A_616 : vector<64x2048xf32>
    %add3A_618 = arith.addf %add3A_565, %mul3A_617 : vector<64x2048xf32>
    %get3A_619 = arith.constant 8 : index
    %get3A_620 = arith.constant 0 : index
    %get3A_621 = vector.load %arg9[%get3A_619, %get3A_620] : memref<24x2048xf32, #tpu.memory_space<vmem>>, vector<1x2048xf32>
    %mul3A_622 = vector.broadcast %get3A_621 : vector<1x2048xf32> to vector<64x2048xf32>
    %mul3A_623 = arith.mulf %convert_element_type3A_576, %mul3A_622 : vector<64x2048xf32>
    %add3A_624 = arith.addf %add3A_571, %mul3A_623 : vector<64x2048xf32>
    %eq3A_625 = arith.constant 8 : i32
    %eq3A_626 = vector.broadcast %eq3A_625 : i32 to vector<64x2048xi32>
    %eq3A_627 = arith.cmpi eq, %min3A_186, %eq3A_626 : vector<64x2048xi32>
    %convert_element_type3A_628 = arith.extui %eq3A_627 : vector<64x2048xi1> to vector<64x2048xi32>
    %convert_element_type3A_629 = arith.sitofp %convert_element_type3A_628 : vector<64x2048xi32> to vector<64x2048xf32>
    %get3A_630 = arith.constant 8 : index
    %get3A_631 = arith.constant 0 : index
    %get3A_632 = vector.load %arg6[%get3A_630, %get3A_631] : memref<24x2048xf32, #tpu.memory_space<vmem>>, vector<1x2048xf32>
    %mul3A_633 = vector.broadcast %get3A_632 : vector<1x2048xf32> to vector<64x2048xf32>
    %mul3A_634 = arith.mulf %convert_element_type3A_629, %mul3A_633 : vector<64x2048xf32>
    %add3A_635 = arith.addf %add3A_582, %mul3A_634 : vector<64x2048xf32>
    %get3A_636 = arith.constant 9 : index
    %get3A_637 = arith.constant 0 : index
    %get3A_638 = vector.load %arg6[%get3A_636, %get3A_637] : memref<24x2048xf32, #tpu.memory_space<vmem>>, vector<1x2048xf32>
    %mul3A_639 = vector.broadcast %get3A_638 : vector<1x2048xf32> to vector<64x2048xf32>
    %mul3A_640 = arith.mulf %convert_element_type3A_629, %mul3A_639 : vector<64x2048xf32>
    %add3A_641 = arith.addf %add3A_588, %mul3A_640 : vector<64x2048xf32>
    %get3A_642 = arith.constant 8 : index
    %get3A_643 = arith.constant 0 : index
    %get3A_644 = vector.load %arg7[%get3A_642, %get3A_643] : memref<24x2048xf32, #tpu.memory_space<vmem>>, vector<1x2048xf32>
    %mul3A_645 = vector.broadcast %get3A_644 : vector<1x2048xf32> to vector<64x2048xf32>
    %mul3A_646 = arith.mulf %convert_element_type3A_629, %mul3A_645 : vector<64x2048xf32>
    %add3A_647 = arith.addf %add3A_594, %mul3A_646 : vector<64x2048xf32>
    %get3A_648 = arith.constant 9 : index
    %get3A_649 = arith.constant 0 : index
    %get3A_650 = vector.load %arg7[%get3A_648, %get3A_649] : memref<24x2048xf32, #tpu.memory_space<vmem>>, vector<1x2048xf32>
    %mul3A_651 = vector.broadcast %get3A_650 : vector<1x2048xf32> to vector<64x2048xf32>
    %mul3A_652 = arith.mulf %convert_element_type3A_629, %mul3A_651 : vector<64x2048xf32>
    %add3A_653 = arith.addf %add3A_600, %mul3A_652 : vector<64x2048xf32>
    %get3A_654 = arith.constant 8 : index
    %get3A_655 = arith.constant 0 : index
    %get3A_656 = vector.load %arg8[%get3A_654, %get3A_655] : memref<24x2048xf32, #tpu.memory_space<vmem>>, vector<1x2048xf32>
    %mul3A_657 = vector.broadcast %get3A_656 : vector<1x2048xf32> to vector<64x2048xf32>
    %mul3A_658 = arith.mulf %convert_element_type3A_629, %mul3A_657 : vector<64x2048xf32>
    %add3A_659 = arith.addf %add3A_606, %mul3A_658 : vector<64x2048xf32>
    %get3A_660 = arith.constant 9 : index
    %get3A_661 = arith.constant 0 : index
    %get3A_662 = vector.load %arg8[%get3A_660, %get3A_661] : memref<24x2048xf32, #tpu.memory_space<vmem>>, vector<1x2048xf32>
    %mul3A_663 = vector.broadcast %get3A_662 : vector<1x2048xf32> to vector<64x2048xf32>
    %mul3A_664 = arith.mulf %convert_element_type3A_629, %mul3A_663 : vector<64x2048xf32>
    %add3A_665 = arith.addf %add3A_612, %mul3A_664 : vector<64x2048xf32>
    %get3A_666 = arith.constant 8 : index
    %get3A_667 = arith.constant 0 : index
    %get3A_668 = vector.load %arg9[%get3A_666, %get3A_667] : memref<24x2048xf32, #tpu.memory_space<vmem>>, vector<1x2048xf32>
    %mul3A_669 = vector.broadcast %get3A_668 : vector<1x2048xf32> to vector<64x2048xf32>
    %mul3A_670 = arith.mulf %convert_element_type3A_629, %mul3A_669 : vector<64x2048xf32>
    %add3A_671 = arith.addf %add3A_618, %mul3A_670 : vector<64x2048xf32>
    %get3A_672 = arith.constant 9 : index
    %get3A_673 = arith.constant 0 : index
    %get3A_674 = vector.load %arg9[%get3A_672, %get3A_673] : memref<24x2048xf32, #tpu.memory_space<vmem>>, vector<1x2048xf32>
    %mul3A_675 = vector.broadcast %get3A_674 : vector<1x2048xf32> to vector<64x2048xf32>
    %mul3A_676 = arith.mulf %convert_element_type3A_629, %mul3A_675 : vector<64x2048xf32>
    %add3A_677 = arith.addf %add3A_624, %mul3A_676 : vector<64x2048xf32>
    %eq3A_678 = arith.constant 9 : i32
    %eq3A_679 = vector.broadcast %eq3A_678 : i32 to vector<64x2048xi32>
    %eq3A_680 = arith.cmpi eq, %min3A_186, %eq3A_679 : vector<64x2048xi32>
    %convert_element_type3A_681 = arith.extui %eq3A_680 : vector<64x2048xi1> to vector<64x2048xi32>
    %convert_element_type3A_682 = arith.sitofp %convert_element_type3A_681 : vector<64x2048xi32> to vector<64x2048xf32>
    %get3A_683 = arith.constant 9 : index
    %get3A_684 = arith.constant 0 : index
    %get3A_685 = vector.load %arg6[%get3A_683, %get3A_684] : memref<24x2048xf32, #tpu.memory_space<vmem>>, vector<1x2048xf32>
    %mul3A_686 = vector.broadcast %get3A_685 : vector<1x2048xf32> to vector<64x2048xf32>
    %mul3A_687 = arith.mulf %convert_element_type3A_682, %mul3A_686 : vector<64x2048xf32>
    %add3A_688 = arith.addf %add3A_635, %mul3A_687 : vector<64x2048xf32>
    %get3A_689 = arith.constant 10 : index
    %get3A_690 = arith.constant 0 : index
    %get3A_691 = vector.load %arg6[%get3A_689, %get3A_690] : memref<24x2048xf32, #tpu.memory_space<vmem>>, vector<1x2048xf32>
    %mul3A_692 = vector.broadcast %get3A_691 : vector<1x2048xf32> to vector<64x2048xf32>
    %mul3A_693 = arith.mulf %convert_element_type3A_682, %mul3A_692 : vector<64x2048xf32>
    %add3A_694 = arith.addf %add3A_641, %mul3A_693 : vector<64x2048xf32>
    %get3A_695 = arith.constant 9 : index
    %get3A_696 = arith.constant 0 : index
    %get3A_697 = vector.load %arg7[%get3A_695, %get3A_696] : memref<24x2048xf32, #tpu.memory_space<vmem>>, vector<1x2048xf32>
    %mul3A_698 = vector.broadcast %get3A_697 : vector<1x2048xf32> to vector<64x2048xf32>
    %mul3A_699 = arith.mulf %convert_element_type3A_682, %mul3A_698 : vector<64x2048xf32>
    %add3A_700 = arith.addf %add3A_647, %mul3A_699 : vector<64x2048xf32>
    %get3A_701 = arith.constant 10 : index
    %get3A_702 = arith.constant 0 : index
    %get3A_703 = vector.load %arg7[%get3A_701, %get3A_702] : memref<24x2048xf32, #tpu.memory_space<vmem>>, vector<1x2048xf32>
    %mul3A_704 = vector.broadcast %get3A_703 : vector<1x2048xf32> to vector<64x2048xf32>
    %mul3A_705 = arith.mulf %convert_element_type3A_682, %mul3A_704 : vector<64x2048xf32>
    %add3A_706 = arith.addf %add3A_653, %mul3A_705 : vector<64x2048xf32>
    %get3A_707 = arith.constant 9 : index
    %get3A_708 = arith.constant 0 : index
    %get3A_709 = vector.load %arg8[%get3A_707, %get3A_708] : memref<24x2048xf32, #tpu.memory_space<vmem>>, vector<1x2048xf32>
    %mul3A_710 = vector.broadcast %get3A_709 : vector<1x2048xf32> to vector<64x2048xf32>
    %mul3A_711 = arith.mulf %convert_element_type3A_682, %mul3A_710 : vector<64x2048xf32>
    %add3A_712 = arith.addf %add3A_659, %mul3A_711 : vector<64x2048xf32>
    %get3A_713 = arith.constant 10 : index
    %get3A_714 = arith.constant 0 : index
    %get3A_715 = vector.load %arg8[%get3A_713, %get3A_714] : memref<24x2048xf32, #tpu.memory_space<vmem>>, vector<1x2048xf32>
    %mul3A_716 = vector.broadcast %get3A_715 : vector<1x2048xf32> to vector<64x2048xf32>
    %mul3A_717 = arith.mulf %convert_element_type3A_682, %mul3A_716 : vector<64x2048xf32>
    %add3A_718 = arith.addf %add3A_665, %mul3A_717 : vector<64x2048xf32>
    %get3A_719 = arith.constant 9 : index
    %get3A_720 = arith.constant 0 : index
    %get3A_721 = vector.load %arg9[%get3A_719, %get3A_720] : memref<24x2048xf32, #tpu.memory_space<vmem>>, vector<1x2048xf32>
    %mul3A_722 = vector.broadcast %get3A_721 : vector<1x2048xf32> to vector<64x2048xf32>
    %mul3A_723 = arith.mulf %convert_element_type3A_682, %mul3A_722 : vector<64x2048xf32>
    %add3A_724 = arith.addf %add3A_671, %mul3A_723 : vector<64x2048xf32>
    %get3A_725 = arith.constant 10 : index
    %get3A_726 = arith.constant 0 : index
    %get3A_727 = vector.load %arg9[%get3A_725, %get3A_726] : memref<24x2048xf32, #tpu.memory_space<vmem>>, vector<1x2048xf32>
    %mul3A_728 = vector.broadcast %get3A_727 : vector<1x2048xf32> to vector<64x2048xf32>
    %mul3A_729 = arith.mulf %convert_element_type3A_682, %mul3A_728 : vector<64x2048xf32>
    %add3A_730 = arith.addf %add3A_677, %mul3A_729 : vector<64x2048xf32>
    %eq3A_731 = arith.constant 10 : i32
    %eq3A_732 = vector.broadcast %eq3A_731 : i32 to vector<64x2048xi32>
    %eq3A_733 = arith.cmpi eq, %min3A_186, %eq3A_732 : vector<64x2048xi32>
    %convert_element_type3A_734 = arith.extui %eq3A_733 : vector<64x2048xi1> to vector<64x2048xi32>
    %convert_element_type3A_735 = arith.sitofp %convert_element_type3A_734 : vector<64x2048xi32> to vector<64x2048xf32>
    %get3A_736 = arith.constant 10 : index
    %get3A_737 = arith.constant 0 : index
    %get3A_738 = vector.load %arg6[%get3A_736, %get3A_737] : memref<24x2048xf32, #tpu.memory_space<vmem>>, vector<1x2048xf32>
    %mul3A_739 = vector.broadcast %get3A_738 : vector<1x2048xf32> to vector<64x2048xf32>
    %mul3A_740 = arith.mulf %convert_element_type3A_735, %mul3A_739 : vector<64x2048xf32>
    %add3A_741 = arith.addf %add3A_688, %mul3A_740 : vector<64x2048xf32>
    %get3A_742 = arith.constant 11 : index
    %get3A_743 = arith.constant 0 : index
    %get3A_744 = vector.load %arg6[%get3A_742, %get3A_743] : memref<24x2048xf32, #tpu.memory_space<vmem>>, vector<1x2048xf32>
    %mul3A_745 = vector.broadcast %get3A_744 : vector<1x2048xf32> to vector<64x2048xf32>
    %mul3A_746 = arith.mulf %convert_element_type3A_735, %mul3A_745 : vector<64x2048xf32>
    %add3A_747 = arith.addf %add3A_694, %mul3A_746 : vector<64x2048xf32>
    %get3A_748 = arith.constant 10 : index
    %get3A_749 = arith.constant 0 : index
    %get3A_750 = vector.load %arg7[%get3A_748, %get3A_749] : memref<24x2048xf32, #tpu.memory_space<vmem>>, vector<1x2048xf32>
    %mul3A_751 = vector.broadcast %get3A_750 : vector<1x2048xf32> to vector<64x2048xf32>
    %mul3A_752 = arith.mulf %convert_element_type3A_735, %mul3A_751 : vector<64x2048xf32>
    %add3A_753 = arith.addf %add3A_700, %mul3A_752 : vector<64x2048xf32>
    %get3A_754 = arith.constant 11 : index
    %get3A_755 = arith.constant 0 : index
    %get3A_756 = vector.load %arg7[%get3A_754, %get3A_755] : memref<24x2048xf32, #tpu.memory_space<vmem>>, vector<1x2048xf32>
    %mul3A_757 = vector.broadcast %get3A_756 : vector<1x2048xf32> to vector<64x2048xf32>
    %mul3A_758 = arith.mulf %convert_element_type3A_735, %mul3A_757 : vector<64x2048xf32>
    %add3A_759 = arith.addf %add3A_706, %mul3A_758 : vector<64x2048xf32>
    %get3A_760 = arith.constant 10 : index
    %get3A_761 = arith.constant 0 : index
    %get3A_762 = vector.load %arg8[%get3A_760, %get3A_761] : memref<24x2048xf32, #tpu.memory_space<vmem>>, vector<1x2048xf32>
    %mul3A_763 = vector.broadcast %get3A_762 : vector<1x2048xf32> to vector<64x2048xf32>
    %mul3A_764 = arith.mulf %convert_element_type3A_735, %mul3A_763 : vector<64x2048xf32>
    %add3A_765 = arith.addf %add3A_712, %mul3A_764 : vector<64x2048xf32>
    %get3A_766 = arith.constant 11 : index
    %get3A_767 = arith.constant 0 : index
    %get3A_768 = vector.load %arg8[%get3A_766, %get3A_767] : memref<24x2048xf32, #tpu.memory_space<vmem>>, vector<1x2048xf32>
    %mul3A_769 = vector.broadcast %get3A_768 : vector<1x2048xf32> to vector<64x2048xf32>
    %mul3A_770 = arith.mulf %convert_element_type3A_735, %mul3A_769 : vector<64x2048xf32>
    %add3A_771 = arith.addf %add3A_718, %mul3A_770 : vector<64x2048xf32>
    %get3A_772 = arith.constant 10 : index
    %get3A_773 = arith.constant 0 : index
    %get3A_774 = vector.load %arg9[%get3A_772, %get3A_773] : memref<24x2048xf32, #tpu.memory_space<vmem>>, vector<1x2048xf32>
    %mul3A_775 = vector.broadcast %get3A_774 : vector<1x2048xf32> to vector<64x2048xf32>
    %mul3A_776 = arith.mulf %convert_element_type3A_735, %mul3A_775 : vector<64x2048xf32>
    %add3A_777 = arith.addf %add3A_724, %mul3A_776 : vector<64x2048xf32>
    %get3A_778 = arith.constant 11 : index
    %get3A_779 = arith.constant 0 : index
    %get3A_780 = vector.load %arg9[%get3A_778, %get3A_779] : memref<24x2048xf32, #tpu.memory_space<vmem>>, vector<1x2048xf32>
    %mul3A_781 = vector.broadcast %get3A_780 : vector<1x2048xf32> to vector<64x2048xf32>
    %mul3A_782 = arith.mulf %convert_element_type3A_735, %mul3A_781 : vector<64x2048xf32>
    %add3A_783 = arith.addf %add3A_730, %mul3A_782 : vector<64x2048xf32>
    %eq3A_784 = arith.constant 11 : i32
    %eq3A_785 = vector.broadcast %eq3A_784 : i32 to vector<64x2048xi32>
    %eq3A_786 = arith.cmpi eq, %min3A_186, %eq3A_785 : vector<64x2048xi32>
    %convert_element_type3A_787 = arith.extui %eq3A_786 : vector<64x2048xi1> to vector<64x2048xi32>
    %convert_element_type3A_788 = arith.sitofp %convert_element_type3A_787 : vector<64x2048xi32> to vector<64x2048xf32>
    %get3A_789 = arith.constant 11 : index
    %get3A_790 = arith.constant 0 : index
    %get3A_791 = vector.load %arg6[%get3A_789, %get3A_790] : memref<24x2048xf32, #tpu.memory_space<vmem>>, vector<1x2048xf32>
    %mul3A_792 = vector.broadcast %get3A_791 : vector<1x2048xf32> to vector<64x2048xf32>
    %mul3A_793 = arith.mulf %convert_element_type3A_788, %mul3A_792 : vector<64x2048xf32>
    %add3A_794 = arith.addf %add3A_741, %mul3A_793 : vector<64x2048xf32>
    %get3A_795 = arith.constant 12 : index
    %get3A_796 = arith.constant 0 : index
    %get3A_797 = vector.load %arg6[%get3A_795, %get3A_796] : memref<24x2048xf32, #tpu.memory_space<vmem>>, vector<1x2048xf32>
    %mul3A_798 = vector.broadcast %get3A_797 : vector<1x2048xf32> to vector<64x2048xf32>
    %mul3A_799 = arith.mulf %convert_element_type3A_788, %mul3A_798 : vector<64x2048xf32>
    %add3A_800 = arith.addf %add3A_747, %mul3A_799 : vector<64x2048xf32>
    %get3A_801 = arith.constant 11 : index
    %get3A_802 = arith.constant 0 : index
    %get3A_803 = vector.load %arg7[%get3A_801, %get3A_802] : memref<24x2048xf32, #tpu.memory_space<vmem>>, vector<1x2048xf32>
    %mul3A_804 = vector.broadcast %get3A_803 : vector<1x2048xf32> to vector<64x2048xf32>
    %mul3A_805 = arith.mulf %convert_element_type3A_788, %mul3A_804 : vector<64x2048xf32>
    %add3A_806 = arith.addf %add3A_753, %mul3A_805 : vector<64x2048xf32>
    %get3A_807 = arith.constant 12 : index
    %get3A_808 = arith.constant 0 : index
    %get3A_809 = vector.load %arg7[%get3A_807, %get3A_808] : memref<24x2048xf32, #tpu.memory_space<vmem>>, vector<1x2048xf32>
    %mul3A_810 = vector.broadcast %get3A_809 : vector<1x2048xf32> to vector<64x2048xf32>
    %mul3A_811 = arith.mulf %convert_element_type3A_788, %mul3A_810 : vector<64x2048xf32>
    %add3A_812 = arith.addf %add3A_759, %mul3A_811 : vector<64x2048xf32>
    %get3A_813 = arith.constant 11 : index
    %get3A_814 = arith.constant 0 : index
    %get3A_815 = vector.load %arg8[%get3A_813, %get3A_814] : memref<24x2048xf32, #tpu.memory_space<vmem>>, vector<1x2048xf32>
    %mul3A_816 = vector.broadcast %get3A_815 : vector<1x2048xf32> to vector<64x2048xf32>
    %mul3A_817 = arith.mulf %convert_element_type3A_788, %mul3A_816 : vector<64x2048xf32>
    %add3A_818 = arith.addf %add3A_765, %mul3A_817 : vector<64x2048xf32>
    %get3A_819 = arith.constant 12 : index
    %get3A_820 = arith.constant 0 : index
    %get3A_821 = vector.load %arg8[%get3A_819, %get3A_820] : memref<24x2048xf32, #tpu.memory_space<vmem>>, vector<1x2048xf32>
    %mul3A_822 = vector.broadcast %get3A_821 : vector<1x2048xf32> to vector<64x2048xf32>
    %mul3A_823 = arith.mulf %convert_element_type3A_788, %mul3A_822 : vector<64x2048xf32>
    %add3A_824 = arith.addf %add3A_771, %mul3A_823 : vector<64x2048xf32>
    %get3A_825 = arith.constant 11 : index
    %get3A_826 = arith.constant 0 : index
    %get3A_827 = vector.load %arg9[%get3A_825, %get3A_826] : memref<24x2048xf32, #tpu.memory_space<vmem>>, vector<1x2048xf32>
    %mul3A_828 = vector.broadcast %get3A_827 : vector<1x2048xf32> to vector<64x2048xf32>
    %mul3A_829 = arith.mulf %convert_element_type3A_788, %mul3A_828 : vector<64x2048xf32>
    %add3A_830 = arith.addf %add3A_777, %mul3A_829 : vector<64x2048xf32>
    %get3A_831 = arith.constant 12 : index
    %get3A_832 = arith.constant 0 : index
    %get3A_833 = vector.load %arg9[%get3A_831, %get3A_832] : memref<24x2048xf32, #tpu.memory_space<vmem>>, vector<1x2048xf32>
    %mul3A_834 = vector.broadcast %get3A_833 : vector<1x2048xf32> to vector<64x2048xf32>
    %mul3A_835 = arith.mulf %convert_element_type3A_788, %mul3A_834 : vector<64x2048xf32>
    %add3A_836 = arith.addf %add3A_783, %mul3A_835 : vector<64x2048xf32>
    %eq3A_837 = arith.constant 12 : i32
    %eq3A_838 = vector.broadcast %eq3A_837 : i32 to vector<64x2048xi32>
    %eq3A_839 = arith.cmpi eq, %min3A_186, %eq3A_838 : vector<64x2048xi32>
    %convert_element_type3A_840 = arith.extui %eq3A_839 : vector<64x2048xi1> to vector<64x2048xi32>
    %convert_element_type3A_841 = arith.sitofp %convert_element_type3A_840 : vector<64x2048xi32> to vector<64x2048xf32>
    %get3A_842 = arith.constant 12 : index
    %get3A_843 = arith.constant 0 : index
    %get3A_844 = vector.load %arg6[%get3A_842, %get3A_843] : memref<24x2048xf32, #tpu.memory_space<vmem>>, vector<1x2048xf32>
    %mul3A_845 = vector.broadcast %get3A_844 : vector<1x2048xf32> to vector<64x2048xf32>
    %mul3A_846 = arith.mulf %convert_element_type3A_841, %mul3A_845 : vector<64x2048xf32>
    %add3A_847 = arith.addf %add3A_794, %mul3A_846 : vector<64x2048xf32>
    %get3A_848 = arith.constant 13 : index
    %get3A_849 = arith.constant 0 : index
    %get3A_850 = vector.load %arg6[%get3A_848, %get3A_849] : memref<24x2048xf32, #tpu.memory_space<vmem>>, vector<1x2048xf32>
    %mul3A_851 = vector.broadcast %get3A_850 : vector<1x2048xf32> to vector<64x2048xf32>
    %mul3A_852 = arith.mulf %convert_element_type3A_841, %mul3A_851 : vector<64x2048xf32>
    %add3A_853 = arith.addf %add3A_800, %mul3A_852 : vector<64x2048xf32>
    %get3A_854 = arith.constant 12 : index
    %get3A_855 = arith.constant 0 : index
    %get3A_856 = vector.load %arg7[%get3A_854, %get3A_855] : memref<24x2048xf32, #tpu.memory_space<vmem>>, vector<1x2048xf32>
    %mul3A_857 = vector.broadcast %get3A_856 : vector<1x2048xf32> to vector<64x2048xf32>
    %mul3A_858 = arith.mulf %convert_element_type3A_841, %mul3A_857 : vector<64x2048xf32>
    %add3A_859 = arith.addf %add3A_806, %mul3A_858 : vector<64x2048xf32>
    %get3A_860 = arith.constant 13 : index
    %get3A_861 = arith.constant 0 : index
    %get3A_862 = vector.load %arg7[%get3A_860, %get3A_861] : memref<24x2048xf32, #tpu.memory_space<vmem>>, vector<1x2048xf32>
    %mul3A_863 = vector.broadcast %get3A_862 : vector<1x2048xf32> to vector<64x2048xf32>
    %mul3A_864 = arith.mulf %convert_element_type3A_841, %mul3A_863 : vector<64x2048xf32>
    %add3A_865 = arith.addf %add3A_812, %mul3A_864 : vector<64x2048xf32>
    %get3A_866 = arith.constant 12 : index
    %get3A_867 = arith.constant 0 : index
    %get3A_868 = vector.load %arg8[%get3A_866, %get3A_867] : memref<24x2048xf32, #tpu.memory_space<vmem>>, vector<1x2048xf32>
    %mul3A_869 = vector.broadcast %get3A_868 : vector<1x2048xf32> to vector<64x2048xf32>
    %mul3A_870 = arith.mulf %convert_element_type3A_841, %mul3A_869 : vector<64x2048xf32>
    %add3A_871 = arith.addf %add3A_818, %mul3A_870 : vector<64x2048xf32>
    %get3A_872 = arith.constant 13 : index
    %get3A_873 = arith.constant 0 : index
    %get3A_874 = vector.load %arg8[%get3A_872, %get3A_873] : memref<24x2048xf32, #tpu.memory_space<vmem>>, vector<1x2048xf32>
    %mul3A_875 = vector.broadcast %get3A_874 : vector<1x2048xf32> to vector<64x2048xf32>
    %mul3A_876 = arith.mulf %convert_element_type3A_841, %mul3A_875 : vector<64x2048xf32>
    %add3A_877 = arith.addf %add3A_824, %mul3A_876 : vector<64x2048xf32>
    %get3A_878 = arith.constant 12 : index
    %get3A_879 = arith.constant 0 : index
    %get3A_880 = vector.load %arg9[%get3A_878, %get3A_879] : memref<24x2048xf32, #tpu.memory_space<vmem>>, vector<1x2048xf32>
    %mul3A_881 = vector.broadcast %get3A_880 : vector<1x2048xf32> to vector<64x2048xf32>
    %mul3A_882 = arith.mulf %convert_element_type3A_841, %mul3A_881 : vector<64x2048xf32>
    %add3A_883 = arith.addf %add3A_830, %mul3A_882 : vector<64x2048xf32>
    %get3A_884 = arith.constant 13 : index
    %get3A_885 = arith.constant 0 : index
    %get3A_886 = vector.load %arg9[%get3A_884, %get3A_885] : memref<24x2048xf32, #tpu.memory_space<vmem>>, vector<1x2048xf32>
    %mul3A_887 = vector.broadcast %get3A_886 : vector<1x2048xf32> to vector<64x2048xf32>
    %mul3A_888 = arith.mulf %convert_element_type3A_841, %mul3A_887 : vector<64x2048xf32>
    %add3A_889 = arith.addf %add3A_836, %mul3A_888 : vector<64x2048xf32>
    %eq3A_890 = arith.constant 13 : i32
    %eq3A_891 = vector.broadcast %eq3A_890 : i32 to vector<64x2048xi32>
    %eq3A_892 = arith.cmpi eq, %min3A_186, %eq3A_891 : vector<64x2048xi32>
    %convert_element_type3A_893 = arith.extui %eq3A_892 : vector<64x2048xi1> to vector<64x2048xi32>
    %convert_element_type3A_894 = arith.sitofp %convert_element_type3A_893 : vector<64x2048xi32> to vector<64x2048xf32>
    %get3A_895 = arith.constant 13 : index
    %get3A_896 = arith.constant 0 : index
    %get3A_897 = vector.load %arg6[%get3A_895, %get3A_896] : memref<24x2048xf32, #tpu.memory_space<vmem>>, vector<1x2048xf32>
    %mul3A_898 = vector.broadcast %get3A_897 : vector<1x2048xf32> to vector<64x2048xf32>
    %mul3A_899 = arith.mulf %convert_element_type3A_894, %mul3A_898 : vector<64x2048xf32>
    %add3A_900 = arith.addf %add3A_847, %mul3A_899 : vector<64x2048xf32>
    %get3A_901 = arith.constant 14 : index
    %get3A_902 = arith.constant 0 : index
    %get3A_903 = vector.load %arg6[%get3A_901, %get3A_902] : memref<24x2048xf32, #tpu.memory_space<vmem>>, vector<1x2048xf32>
    %mul3A_904 = vector.broadcast %get3A_903 : vector<1x2048xf32> to vector<64x2048xf32>
    %mul3A_905 = arith.mulf %convert_element_type3A_894, %mul3A_904 : vector<64x2048xf32>
    %add3A_906 = arith.addf %add3A_853, %mul3A_905 : vector<64x2048xf32>
    %get3A_907 = arith.constant 13 : index
    %get3A_908 = arith.constant 0 : index
    %get3A_909 = vector.load %arg7[%get3A_907, %get3A_908] : memref<24x2048xf32, #tpu.memory_space<vmem>>, vector<1x2048xf32>
    %mul3A_910 = vector.broadcast %get3A_909 : vector<1x2048xf32> to vector<64x2048xf32>
    %mul3A_911 = arith.mulf %convert_element_type3A_894, %mul3A_910 : vector<64x2048xf32>
    %add3A_912 = arith.addf %add3A_859, %mul3A_911 : vector<64x2048xf32>
    %get3A_913 = arith.constant 14 : index
    %get3A_914 = arith.constant 0 : index
    %get3A_915 = vector.load %arg7[%get3A_913, %get3A_914] : memref<24x2048xf32, #tpu.memory_space<vmem>>, vector<1x2048xf32>
    %mul3A_916 = vector.broadcast %get3A_915 : vector<1x2048xf32> to vector<64x2048xf32>
    %mul3A_917 = arith.mulf %convert_element_type3A_894, %mul3A_916 : vector<64x2048xf32>
    %add3A_918 = arith.addf %add3A_865, %mul3A_917 : vector<64x2048xf32>
    %get3A_919 = arith.constant 13 : index
    %get3A_920 = arith.constant 0 : index
    %get3A_921 = vector.load %arg8[%get3A_919, %get3A_920] : memref<24x2048xf32, #tpu.memory_space<vmem>>, vector<1x2048xf32>
    %mul3A_922 = vector.broadcast %get3A_921 : vector<1x2048xf32> to vector<64x2048xf32>
    %mul3A_923 = arith.mulf %convert_element_type3A_894, %mul3A_922 : vector<64x2048xf32>
    %add3A_924 = arith.addf %add3A_871, %mul3A_923 : vector<64x2048xf32>
    %get3A_925 = arith.constant 14 : index
    %get3A_926 = arith.constant 0 : index
    %get3A_927 = vector.load %arg8[%get3A_925, %get3A_926] : memref<24x2048xf32, #tpu.memory_space<vmem>>, vector<1x2048xf32>
    %mul3A_928 = vector.broadcast %get3A_927 : vector<1x2048xf32> to vector<64x2048xf32>
    %mul3A_929 = arith.mulf %convert_element_type3A_894, %mul3A_928 : vector<64x2048xf32>
    %add3A_930 = arith.addf %add3A_877, %mul3A_929 : vector<64x2048xf32>
    %get3A_931 = arith.constant 13 : index
    %get3A_932 = arith.constant 0 : index
    %get3A_933 = vector.load %arg9[%get3A_931, %get3A_932] : memref<24x2048xf32, #tpu.memory_space<vmem>>, vector<1x2048xf32>
    %mul3A_934 = vector.broadcast %get3A_933 : vector<1x2048xf32> to vector<64x2048xf32>
    %mul3A_935 = arith.mulf %convert_element_type3A_894, %mul3A_934 : vector<64x2048xf32>
    %add3A_936 = arith.addf %add3A_883, %mul3A_935 : vector<64x2048xf32>
    %get3A_937 = arith.constant 14 : index
    %get3A_938 = arith.constant 0 : index
    %get3A_939 = vector.load %arg9[%get3A_937, %get3A_938] : memref<24x2048xf32, #tpu.memory_space<vmem>>, vector<1x2048xf32>
    %mul3A_940 = vector.broadcast %get3A_939 : vector<1x2048xf32> to vector<64x2048xf32>
    %mul3A_941 = arith.mulf %convert_element_type3A_894, %mul3A_940 : vector<64x2048xf32>
    %add3A_942 = arith.addf %add3A_889, %mul3A_941 : vector<64x2048xf32>
    %eq3A_943 = arith.constant 14 : i32
    %eq3A_944 = vector.broadcast %eq3A_943 : i32 to vector<64x2048xi32>
    %eq3A_945 = arith.cmpi eq, %min3A_186, %eq3A_944 : vector<64x2048xi32>
    %convert_element_type3A_946 = arith.extui %eq3A_945 : vector<64x2048xi1> to vector<64x2048xi32>
    %convert_element_type3A_947 = arith.sitofp %convert_element_type3A_946 : vector<64x2048xi32> to vector<64x2048xf32>
    %get3A_948 = arith.constant 14 : index
    %get3A_949 = arith.constant 0 : index
    %get3A_950 = vector.load %arg6[%get3A_948, %get3A_949] : memref<24x2048xf32, #tpu.memory_space<vmem>>, vector<1x2048xf32>
    %mul3A_951 = vector.broadcast %get3A_950 : vector<1x2048xf32> to vector<64x2048xf32>
    %mul3A_952 = arith.mulf %convert_element_type3A_947, %mul3A_951 : vector<64x2048xf32>
    %add3A_953 = arith.addf %add3A_900, %mul3A_952 : vector<64x2048xf32>
    %get3A_954 = arith.constant 15 : index
    %get3A_955 = arith.constant 0 : index
    %get3A_956 = vector.load %arg6[%get3A_954, %get3A_955] : memref<24x2048xf32, #tpu.memory_space<vmem>>, vector<1x2048xf32>
    %mul3A_957 = vector.broadcast %get3A_956 : vector<1x2048xf32> to vector<64x2048xf32>
    %mul3A_958 = arith.mulf %convert_element_type3A_947, %mul3A_957 : vector<64x2048xf32>
    %add3A_959 = arith.addf %add3A_906, %mul3A_958 : vector<64x2048xf32>
    %get3A_960 = arith.constant 14 : index
    %get3A_961 = arith.constant 0 : index
    %get3A_962 = vector.load %arg7[%get3A_960, %get3A_961] : memref<24x2048xf32, #tpu.memory_space<vmem>>, vector<1x2048xf32>
    %mul3A_963 = vector.broadcast %get3A_962 : vector<1x2048xf32> to vector<64x2048xf32>
    %mul3A_964 = arith.mulf %convert_element_type3A_947, %mul3A_963 : vector<64x2048xf32>
    %add3A_965 = arith.addf %add3A_912, %mul3A_964 : vector<64x2048xf32>
    %get3A_966 = arith.constant 15 : index
    %get3A_967 = arith.constant 0 : index
    %get3A_968 = vector.load %arg7[%get3A_966, %get3A_967] : memref<24x2048xf32, #tpu.memory_space<vmem>>, vector<1x2048xf32>
    %mul3A_969 = vector.broadcast %get3A_968 : vector<1x2048xf32> to vector<64x2048xf32>
    %mul3A_970 = arith.mulf %convert_element_type3A_947, %mul3A_969 : vector<64x2048xf32>
    %add3A_971 = arith.addf %add3A_918, %mul3A_970 : vector<64x2048xf32>
    %get3A_972 = arith.constant 14 : index
    %get3A_973 = arith.constant 0 : index
    %get3A_974 = vector.load %arg8[%get3A_972, %get3A_973] : memref<24x2048xf32, #tpu.memory_space<vmem>>, vector<1x2048xf32>
    %mul3A_975 = vector.broadcast %get3A_974 : vector<1x2048xf32> to vector<64x2048xf32>
    %mul3A_976 = arith.mulf %convert_element_type3A_947, %mul3A_975 : vector<64x2048xf32>
    %add3A_977 = arith.addf %add3A_924, %mul3A_976 : vector<64x2048xf32>
    %get3A_978 = arith.constant 15 : index
    %get3A_979 = arith.constant 0 : index
    %get3A_980 = vector.load %arg8[%get3A_978, %get3A_979] : memref<24x2048xf32, #tpu.memory_space<vmem>>, vector<1x2048xf32>
    %mul3A_981 = vector.broadcast %get3A_980 : vector<1x2048xf32> to vector<64x2048xf32>
    %mul3A_982 = arith.mulf %convert_element_type3A_947, %mul3A_981 : vector<64x2048xf32>
    %add3A_983 = arith.addf %add3A_930, %mul3A_982 : vector<64x2048xf32>
    %get3A_984 = arith.constant 14 : index
    %get3A_985 = arith.constant 0 : index
    %get3A_986 = vector.load %arg9[%get3A_984, %get3A_985] : memref<24x2048xf32, #tpu.memory_space<vmem>>, vector<1x2048xf32>
    %mul3A_987 = vector.broadcast %get3A_986 : vector<1x2048xf32> to vector<64x2048xf32>
    %mul3A_988 = arith.mulf %convert_element_type3A_947, %mul3A_987 : vector<64x2048xf32>
    %add3A_989 = arith.addf %add3A_936, %mul3A_988 : vector<64x2048xf32>
    %get3A_990 = arith.constant 15 : index
    %get3A_991 = arith.constant 0 : index
    %get3A_992 = vector.load %arg9[%get3A_990, %get3A_991] : memref<24x2048xf32, #tpu.memory_space<vmem>>, vector<1x2048xf32>
    %mul3A_993 = vector.broadcast %get3A_992 : vector<1x2048xf32> to vector<64x2048xf32>
    %mul3A_994 = arith.mulf %convert_element_type3A_947, %mul3A_993 : vector<64x2048xf32>
    %add3A_995 = arith.addf %add3A_942, %mul3A_994 : vector<64x2048xf32>
    %eq3A_996 = arith.constant 15 : i32
    %eq3A_997 = vector.broadcast %eq3A_996 : i32 to vector<64x2048xi32>
    %eq3A_998 = arith.cmpi eq, %min3A_186, %eq3A_997 : vector<64x2048xi32>
    %convert_element_type3A_999 = arith.extui %eq3A_998 : vector<64x2048xi1> to vector<64x2048xi32>
    %convert_element_type3A_1000 = arith.sitofp %convert_element_type3A_999 : vector<64x2048xi32> to vector<64x2048xf32>
    %get3A_1001 = arith.constant 15 : index
    %get3A_1002 = arith.constant 0 : index
    %get3A_1003 = vector.load %arg6[%get3A_1001, %get3A_1002] : memref<24x2048xf32, #tpu.memory_space<vmem>>, vector<1x2048xf32>
    %mul3A_1004 = vector.broadcast %get3A_1003 : vector<1x2048xf32> to vector<64x2048xf32>
    %mul3A_1005 = arith.mulf %convert_element_type3A_1000, %mul3A_1004 : vector<64x2048xf32>
    %add3A_1006 = arith.addf %add3A_953, %mul3A_1005 : vector<64x2048xf32>
    %get3A_1007 = arith.constant 16 : index
    %get3A_1008 = arith.constant 0 : index
    %get3A_1009 = vector.load %arg6[%get3A_1007, %get3A_1008] : memref<24x2048xf32, #tpu.memory_space<vmem>>, vector<1x2048xf32>
    %mul3A_1010 = vector.broadcast %get3A_1009 : vector<1x2048xf32> to vector<64x2048xf32>
    %mul3A_1011 = arith.mulf %convert_element_type3A_1000, %mul3A_1010 : vector<64x2048xf32>
    %add3A_1012 = arith.addf %add3A_959, %mul3A_1011 : vector<64x2048xf32>
    %get3A_1013 = arith.constant 15 : index
    %get3A_1014 = arith.constant 0 : index
    %get3A_1015 = vector.load %arg7[%get3A_1013, %get3A_1014] : memref<24x2048xf32, #tpu.memory_space<vmem>>, vector<1x2048xf32>
    %mul3A_1016 = vector.broadcast %get3A_1015 : vector<1x2048xf32> to vector<64x2048xf32>
    %mul3A_1017 = arith.mulf %convert_element_type3A_1000, %mul3A_1016 : vector<64x2048xf32>
    %add3A_1018 = arith.addf %add3A_965, %mul3A_1017 : vector<64x2048xf32>
    %get3A_1019 = arith.constant 16 : index
    %get3A_1020 = arith.constant 0 : index
    %get3A_1021 = vector.load %arg7[%get3A_1019, %get3A_1020] : memref<24x2048xf32, #tpu.memory_space<vmem>>, vector<1x2048xf32>
    %mul3A_1022 = vector.broadcast %get3A_1021 : vector<1x2048xf32> to vector<64x2048xf32>
    %mul3A_1023 = arith.mulf %convert_element_type3A_1000, %mul3A_1022 : vector<64x2048xf32>
    %add3A_1024 = arith.addf %add3A_971, %mul3A_1023 : vector<64x2048xf32>
    %get3A_1025 = arith.constant 15 : index
    %get3A_1026 = arith.constant 0 : index
    %get3A_1027 = vector.load %arg8[%get3A_1025, %get3A_1026] : memref<24x2048xf32, #tpu.memory_space<vmem>>, vector<1x2048xf32>
    %mul3A_1028 = vector.broadcast %get3A_1027 : vector<1x2048xf32> to vector<64x2048xf32>
    %mul3A_1029 = arith.mulf %convert_element_type3A_1000, %mul3A_1028 : vector<64x2048xf32>
    %add3A_1030 = arith.addf %add3A_977, %mul3A_1029 : vector<64x2048xf32>
    %get3A_1031 = arith.constant 16 : index
    %get3A_1032 = arith.constant 0 : index
    %get3A_1033 = vector.load %arg8[%get3A_1031, %get3A_1032] : memref<24x2048xf32, #tpu.memory_space<vmem>>, vector<1x2048xf32>
    %mul3A_1034 = vector.broadcast %get3A_1033 : vector<1x2048xf32> to vector<64x2048xf32>
    %mul3A_1035 = arith.mulf %convert_element_type3A_1000, %mul3A_1034 : vector<64x2048xf32>
    %add3A_1036 = arith.addf %add3A_983, %mul3A_1035 : vector<64x2048xf32>
    %get3A_1037 = arith.constant 15 : index
    %get3A_1038 = arith.constant 0 : index
    %get3A_1039 = vector.load %arg9[%get3A_1037, %get3A_1038] : memref<24x2048xf32, #tpu.memory_space<vmem>>, vector<1x2048xf32>
    %mul3A_1040 = vector.broadcast %get3A_1039 : vector<1x2048xf32> to vector<64x2048xf32>
    %mul3A_1041 = arith.mulf %convert_element_type3A_1000, %mul3A_1040 : vector<64x2048xf32>
    %add3A_1042 = arith.addf %add3A_989, %mul3A_1041 : vector<64x2048xf32>
    %get3A_1043 = arith.constant 16 : index
    %get3A_1044 = arith.constant 0 : index
    %get3A_1045 = vector.load %arg9[%get3A_1043, %get3A_1044] : memref<24x2048xf32, #tpu.memory_space<vmem>>, vector<1x2048xf32>
    %mul3A_1046 = vector.broadcast %get3A_1045 : vector<1x2048xf32> to vector<64x2048xf32>
    %mul3A_1047 = arith.mulf %convert_element_type3A_1000, %mul3A_1046 : vector<64x2048xf32>
    %add3A_1048 = arith.addf %add3A_995, %mul3A_1047 : vector<64x2048xf32>
    %sub3A_1049 = arith.subf %add3A_1012, %add3A_1006 : vector<64x2048xf32>
    %abs3A = math.absf %sub3A_1049 : vector<64x2048xf32>
    %gt3A = arith.constant 9.99999996E-13 : f32
    %gt3A_1050 = vector.broadcast %gt3A : f32 to vector<64x2048xf32>
    %gt3A_1051 = arith.cmpf ogt, %abs3A, %gt3A_1050 : vector<64x2048xf32>
    %jit3A_1052 = arith.constant 1.000000e+00 : f32
    %broadcast_in_dim3A_1053 = vector.broadcast %jit3A_1052 : f32 to vector<64x2048xf32>
    %select_n3A_1054 = arith.select %gt3A_1051, %sub3A_1049, %broadcast_in_dim3A_1053 : vector<64x2048xi1>, vector<64x2048xf32>
    %sub3A_1055 = vector.broadcast %get3A_45 : vector<64x1xf32> to vector<64x2048xf32>
    %sub3A_1056 = arith.subf %sub3A_1055, %add3A_1006 : vector<64x2048xf32>
    %div3A = arith.divf %sub3A_1056, %select_n3A_1054 : vector<64x2048xf32>
    %sub3A_1057 = arith.subf %add3A_1024, %add3A_1018 : vector<64x2048xf32>
    %mul3A_1058 = arith.mulf %div3A, %sub3A_1057 : vector<64x2048xf32>
    %add3A_1059 = arith.addf %add3A_1018, %mul3A_1058 : vector<64x2048xf32>
    %swap3A_1060 = arith.constant 0 : index
    %swap3A_1061 = arith.constant 0 : index
    %swap3A_1062 = arith.constant 0 : index
    %swap3A_1063 = vector.load %arg5[%swap3A_1060, %swap3A_1061, %swap3A_1062] : memref<3x64x2048xf32, #tpu.memory_space<vmem>>, vector<1x64x2048xf32>
    %swap3A_1064 = vector.shape_cast %swap3A_1063 : vector<1x64x2048xf32> to vector<64x2048xf32>
    %swap3A_1065 = vector.shape_cast %add3A_1059 : vector<64x2048xf32> to vector<1x64x2048xf32>
    tpu.vector_store %arg5[%swap3A_1060, %swap3A_1061, %swap3A_1062], %swap3A_1065 {strides = array<i32>} : memref<3x64x2048xf32, #tpu.memory_space<vmem>>, vector<1x64x2048xf32>,
    %sub3A_1066 = arith.subf %add3A_1036, %add3A_1030 : vector<64x2048xf32>
    %mul3A_1067 = arith.mulf %div3A, %sub3A_1066 : vector<64x2048xf32>
    %add3A_1068 = arith.addf %add3A_1030, %mul3A_1067 : vector<64x2048xf32>
    %swap3A_1069 = arith.constant 1 : index
    %swap3A_1070 = arith.constant 0 : index
    %swap3A_1071 = arith.constant 0 : index
    %swap3A_1072 = vector.load %arg5[%swap3A_1069, %swap3A_1070, %swap3A_1071] : memref<3x64x2048xf32, #tpu.memory_space<vmem>>, vector<1x64x2048xf32>
    %swap3A_1073 = vector.shape_cast %swap3A_1072 : vector<1x64x2048xf32> to vector<64x2048xf32>
    %swap3A_1074 = vector.shape_cast %add3A_1068 : vector<64x2048xf32> to vector<1x64x2048xf32>
    tpu.vector_store %arg5[%swap3A_1069, %swap3A_1070, %swap3A_1071], %swap3A_1074 {strides = array<i32>} : memref<3x64x2048xf32, #tpu.memory_space<vmem>>, vector<1x64x2048xf32>,
    %sub3A_1075 = arith.subf %add3A_1048, %add3A_1042 : vector<64x2048xf32>
    %mul3A_1076 = arith.mulf %div3A, %sub3A_1075 : vector<64x2048xf32>
    %add3A_1077 = arith.addf %add3A_1042, %mul3A_1076 : vector<64x2048xf32>
    %swap3A_1078 = arith.constant 2 : index
    %swap3A_1079 = arith.constant 0 : index
    %swap3A_1080 = arith.constant 0 : index
    %swap3A_1081 = vector.load %arg5[%swap3A_1078, %swap3A_1079, %swap3A_1080] : memref<3x64x2048xf32, #tpu.memory_space<vmem>>, vector<1x64x2048xf32>
    %swap3A_1082 = vector.shape_cast %swap3A_1081 : vector<1x64x2048xf32> to vector<64x2048xf32>
    %swap3A_1083 = vector.shape_cast %add3A_1077 : vector<64x2048xf32> to vector<1x64x2048xf32>
    tpu.vector_store %arg5[%swap3A_1078, %swap3A_1079, %swap3A_1080], %swap3A_1083 {strides = array<i32>} : memref<3x64x2048xf32, #tpu.memory_space<vmem>>, vector<1x64x2048xf32>,
    return
  }
}

</mosaic_0001>

<sc_bundles>
// kernel: gather_offload_async_start
scs
__scs_entry_jumppad:
0x0: {  	(pc) =	sbr.rel $0x88, $3  }
0x1: {  	(tag) =	ssettag $0x0;
	lr =	simm.s32 $0x1  }
0x2: {  	[smem:$0x3F9A] =	sst lr;
	_ =	strace $0xD0000000  }
0x3: {  	_ = 	snop  }
0x4: {  	_ = 	snop  }
0x5: {  	_ = 	snop  }
0x6: {  	_ = 	snop  }
0x7: {  	_ = 	snop  }
__scs_overlays_trampoline_lowered:
0x8: {  	[smem:$0x3FA9] =	sst s0  }
0x9: {  	[smem:$0x3FAA] =	sst s1  }
0xa: {  	[smem:$0x3FAB] =	sst s2  }
0xb: {  	[smem:$0x3FAC] =	sst s3  }
0xc: {  	[smem:$0x3FAD] =	sst s4  }
0xd: {  	[smem:$0x3FAE] =	sst s5  }
0xe: {  	[smem:$0x3FAF] =	sst s6  }
0xf: {  	[smem:$0x3FB0] =	sst s7  }
0x10: {  	[smem:$0x3FB1] =	sst s8  }
0x11: {  	[smem:$0x3FB2] =	sst s9;
	s0 =	simm.s32 @!p0 $0x0  }
0x12: {  	s1 =	sld [smem:$0x3F98];
	s0 =	simm.s32 @p0 $0x1  }
0x13: {  	[smem:$0x3FB3] =	sst s0;
	s0 =	simm.s32 @!p1 $0x0  }
0x14: {  	s2 =	sld [smem:$0x3F97];
	s0 =	simm.s32 @p1 $0x1  }
0x15: {  	[smem:$0x3FB4] =	sst s0;
	s0 =	simm.s32 @!p2 $0x0  }
0x16: {  	s3 =	sld [smem:$0x3FDB];
	s0 =	simm.s32 @p2 $0x1  }
0x17: {  	s4 =	simm.s32 $0x1BF5;
	[smem:$0x3FB6] =	sst s0  }
0x18: {  	s0 =	sld [smem:$0x3F99];
	_ =	swait.ge [sflag:s4], $0x0  }
0x19: {  	s7 =	sld [smem:$0x3F9A]  }
0x1a: {  	s8 =	sadd.s32 $0xFFFFE003, lr  }
0x1b: {  	s9 =	sadd.s32 $0xFFFFFEF7, lr;
	s5 =	simm.s32 $0xFFFFFFFF;
	p2 =	slt.u32 s8, $0xFFFFF086  }
0x1c: {  	p1 =	slt.u32 s9, $0xF7A;
	s5 =	simm.s32 @!p2 $0x0  }
0x1d: {  	s5 =	simm.s32 @p1 $0x1;
	p0 =	seq.s32 s7, s2  }
0x1e: {  	s7 =	smul.u32 @!p0 $0xF7A, s2;
	p2 =	seq.s32 @!p0 s5, $0x0  }
0x1f: {  	s9 =	smul.u32 $0xF7A, s1;
	s8 =	simm.s32 @!p0 $0x1BF5;
	p2 =	por !p2, p0  }
0x20: {  	[sflag:s8] =	ssyncset.s32 @!p0 $0xFFFFF086;
	s6 =	sadd.s32 @!p0 s3, s7;
	s7 =	simm.s32 @!p0 $0x108  }
0x21: {  	s3 =	sadd.s32 s3, s9;
	s6 =	sadd.s32 @!p0 $0x88, s6;
	s7 =	simm.s32 @p2 $0x1082  }
0x22: {  	[simem:s7], [sflag:s8] =	dma.local @!p0 [hbm:s6], $0xF7A  }
0x23: {  	s9 =	sor.u32 $0xD0000000, s2;
	s6 =	simm.s32 $0x108;
	_ =	swait.ge @!p0 [sflag:s8], $0x0  }
0x24: {  	s3 =	sadd.s32 $0x88, s3;
	s6 =	simm.s32 @!p1 $0x1082;
	[sflag:s4] =	ssyncset.s32 $0xFFFFF086  }
0x25: {  	[simem:s6], [sflag:s4] =	dma.local [hbm:s3], $0xF7A  }
0x26: {  	[smem:$0x3F9A] =	sst s1;
	(tag) =	ssettag s2;
	_ =	strace s9  }
0x27: {  	s1 =	sld [smem:$0x3FAA]  }
0x28: {  	s2 =	sld [smem:$0x3FAB]  }
0x29: {  	s4 =	sld [smem:$0x3FAD]  }
0x2a: {  	p0 =	seq.s32 s5, $0x0;
	s5 =	sld [smem:$0x3FAE]  }
0x2b: {  	s6 =	sld [smem:$0x3FAF]  }
0x2c: {  	s7 =	sld [smem:$0x3FB0]  }
0x2d: {  	s3 =	simm.s32 $0x108;
	s8 =	sld [smem:$0x3FB1]  }
0x2e: {  	s3 =	simm.s32 @!p0 $0x1082;
	s9 =	sld [smem:$0x3FB2]  }
0x2f: {  	lr =	sadd.s32 s0, s3;
	s0 =	sld [smem:$0x3FA9]  }
0x30: {  	s3 =	sld [smem:$0x3FAC]  }
0x31: {  	[smem:$0x3FB5] =	sst s10  }
0x32: {  	s10 =	sld [smem:$0x3FB3];
	_ =	sdelay $0x3  }
0x33: {  	p0 =	seq.s32 s10, $0x1;
	s10 =	sld [smem:$0x3FB5];
	_ =	sdelay $0x3  }
0x34: {  	[smem:$0x3FB5] =	sst s10  }
0x35: {  	s10 =	sld [smem:$0x3FB4];
	_ =	sdelay $0x3  }
0x36: {  	p1 =	seq.s32 s10, $0x1;
	s10 =	sld [smem:$0x3FB5];
	_ =	sdelay $0x3  }
0x37: {  	[smem:$0x3FB5] =	sst s10  }
0x38: {  	s10 =	sld [smem:$0x3FB6]  }
0x39: {  	_ = 	snop;
	(pc) =	sbr.ind lr, $3  }
0x3a: {  	_ = 	snop  }
0x3b: {  	_ = 	snop  }
0x3c: {  	p2 =	seq.s32 s10, $0x1;
	s10 =	sld [smem:$0x3FB5]  }
0x3d: {  	_ =	shalt  }
0x3e: {  	_ =	shalt  }
0x3f: {  	_ =	shalt  }
0x40: {  	_ =	shalt  }
0x41: {  	_ =	shalt  }
0x42: {  	_ =	shalt  }
0x43: {  	_ =	shalt  }
0x44: {  	_ =	shalt  }
0x45: {  	_ =	shalt  }
0x46: {  	_ =	shalt  }
0x47: {  	_ =	shalt  }
0x48: {  	_ =	shalt  }
0x49: {  	_ =	shalt  }
0x4a: {  	_ =	shalt  }
0x4b: {  	_ =	shalt  }
0x4c: {  	_ =	shalt  }
0x4d: {  	_ =	shalt  }
0x4e: {  	_ =	shalt  }
0x4f: {  	_ =	shalt  }
0x50: {  	_ =	shalt  }
0x51: {  	_ =	shalt  }
0x52: {  	_ =	shalt  }
0x53: {  	_ =	shalt  }
0x54: {  	_ =	shalt  }
0x55: {  	_ =	shalt  }
0x56: {  	_ =	shalt  }
0x57: {  	_ =	shalt  }
0x58: {  	_ =	shalt  }
0x59: {  	_ =	shalt  }
0x5a: {  	_ =	shalt  }
0x5b: {  	_ =	shalt  }
0x5c: {  	_ =	shalt  }
0x5d: {  	_ =	shalt  }
0x5e: {  	_ =	shalt  }
0x5f: {  	_ =	shalt  }
0x60: {  	_ =	shalt  }
0x61: {  	_ =	shalt  }
0x62: {  	_ =	shalt  }
0x63: {  	_ =	shalt  }
0x64: {  	_ =	shalt  }
0x65: {  	_ =	shalt  }
0x66: {  	_ =	shalt  }
0x67: {  	_ =	shalt  }
0x68: {  	_ =	shalt  }
0x69: {  	_ =	shalt  }
0x6a: {  	_ =	shalt  }
0x6b: {  	_ =	shalt  }
0x6c: {  	_ =	shalt  }
0x6d: {  	_ =	shalt  }
0x6e: {  	_ =	shalt  }
0x6f: {  	_ =	shalt  }
0x70: {  	_ =	shalt  }
0x71: {  	_ =	shalt  }
0x72: {  	_ =	shalt  }
0x73: {  	_ =	shalt  }
0x74: {  	_ =	shalt  }
0x75: {  	_ =	shalt  }
0x76: {  	_ =	shalt  }
0x77: {  	_ =	shalt  }
0x78: {  	_ =	shalt  }
0x79: {  	_ =	shalt  }
0x7a: {  	_ =	shalt  }
0x7b: {  	_ =	shalt  }
0x7c: {  	_ =	shalt  }
0x7d: {  	_ =	shalt  }
0x7e: {  	_ =	shalt  }
0x7f: {  	_ =	shalt  }
0x80: {  	_ =	shalt  }
0x81: {  	_ =	shalt  }
0x82: {  	_ =	shalt  }
0x83: {  	_ =	shalt  }
0x84: {  	_ =	shalt  }
0x85: {  	_ =	shalt  }
0x86: {  	_ =	shalt  }
0x87: {  	_ =	shalt  }
.Lfunc_end0:
.L_simem_size_0:
called_computation_lowered:
.L_overlay_start_0:
0x88: {  	s2 =	sld [smem:$0x3FD9]  }
0x89: {  	s3 =	sld [smem:$0x3FFE];
	_ =	sdelay $0x1  }
0x8a: {  	s1 =	srdreg.scid  }
0x8b: {  	s0 =	sand.u32 $0x1, s1  }
0x8c: {  	s17 =	sshll.u32 s0, $0xA;
	s2 =	sadd.s32 s3, s2  }
0x8d: {  	s2 =	sadd.s32 s2, s17  }
0x8e: {  	[smem:$0x3FC1] =	sst s2  }
0x8f: {  	_ = 	snop  }
0x90: {  	s2 =	sld [smem:$0x3FD0];
	(tm) =	ssettm $0x1  }
0x91: {  	s18 =	sld [smem:$0x3FFB];
	_ =	sdelay $0x3  }
0x92: {  	_ =	strace s18  }
0x93: {  	s3 =	sld [smem:$0x3FFC];
	_ =	sdelay $0x3  }
0x94: {  	_ =	strace s3  }
0x95: {  	s3 =	sld [smem:$0x3FFD];
	_ =	sdelay $0x3  }
0x96: {  	_ =	strace s3  }
0x97: {  	_ =	strace $0x8FFFFFFF  }
0x98: {  	s19 =	sld [smem:$0x3FDB];
	_ =	sdelay $0x1  }
0x99: {  	s4 =	simm.s32 $_scs_section_size  }
0x9a: {  	s5 =	simm.s32 $_size__tile_overlayer_lowered;
	s6 =	simm.s32 $_tile_overlayer_lowered  }
0x9b: {  	s22 =	simm.s32 $0x1BFF;
	s21 =	sshll.u32 s6, $0x1;
	s3 =	sadd.s32 s4, s19  }
0x9c: {  	s7 =	simm.s32 $0x0;
	s20 =	sshll.u32 s5, $0x1;
	s5 =	sadd.s32 s21, s3  }
0x9d: {  	[timem:s7], [sflag:s22] =	dma.local [hbm:s5], s20  }
0x9e: {  	_ =	swait.ge [sflag:s22], s20  }
0x9f: {  	s4 =	ssub.s32 $0x0, s20;
	[sflag:s22] =	ssyncset.done $0x0  }
0xa0: {  	[sflag:s22] =	ssyncadd.s32 s4;
	_ =	sdelay $0x1  }
0xa1: {  	s23 =	simm.s32 $0x1B8B  }
0xa2: {  	_ =	swait.ge [sflag:s23], $0x1  }
0xa3: {  	[sflag:s23] =	ssyncset.done $0x0  }
0xa4: {  	s25 =	simm.s32 $0x1B8E;
	s24 =	sld [smem:$0x3FFE];
	[sflag:s23] =	ssyncadd.s32 $0xFFFFFFFF  }
0xa5: {  	s26 =	simm.s32 $execute0_lowered;
	[smem:$0x3FD2] =	sst s25  }
0xa6: {  	s5 =	sshll.u32 s26, $0x1;
	_ =	strace $0x80000046;
	[dreg:$0x1] =	wrdreg $0xFFFFFFFF  }
0xa7: {  	s28 =	simm.s32 $_size_execute0_lowered;
	s3 =	sadd.s32 s3, s5;
	[dreg:$0x0] =	wrdreg $0x0  }
0xa8: {  	s5 =	sshll.u32 s28, $0x1;
	[dreg:$0x2] =	wrdreg s3  }
0xa9: {  	[dreg:$0x3] =	wrdreg s5  }
0xaa: {  	[dreg:$0x4] =	wrdreg $0xC0  }
0xab: {  	_ =	task [dreg:s7], $0x5FFFF  }
0xac: {  	[dreg:$0x1] =	wrdreg $0xFFFFFFFF  }
0xad: {  	[dreg:$0x0] =	wrdreg $0x60  }
0xae: {  	[dreg:$0x2] =	wrdreg s24  }
0xaf: {  	[dreg:$0x3] =	wrdreg s2  }
0xb0: {  	[dreg:$0x4] =	wrdreg $0x9  }
0xb1: {  	_ =	task.clear_ibuf [dreg:s7], $0x5FFFF;
	_ =	strace $0x90000046  }
0xb2: {  	s29 =	simm.s32 $0x9;
	_ =	strace $0x80000048  }
0xb3: {  	_ =	swait.ge [sflag:s29], $0x1  }
0xb4: {  	[sflag:s29] =	ssyncadd.s32 $0xFFFFFFFF  }
0xb5: {  	_ =	strace $0x90000048  }
0xb6: {  	_ =	sfence  }
0xb7: {  	s30 =	sld [smem:$0x0];
	_ =	sdelay $0x2  }
0xb8: {  	s31 =	sshll.u32 s1, $0xD;
	s1 =	sshrl.u32 s1, $0x2  }
0xb9: {  	s3 =	sand.u32 $0x4000, s31;
	s1 =	sadd.s32 s1, s30  }
0xba: {  	s0 =	sor.u32 s3, s0;
	s1 =	sshll.u32 s1, $0x11  }
0xbb: {  	s0 =	sor.u32 s1, s0  }
0xbc: {  	s0 =	sadd.s32 $0x8F2B, s0  }
0xbd: {  	[sflag:s0] =	ssyncadd.remote.s32 $0x1  }
0xbe: {  	_ =	sfence.sel $0xFFFF  }
0xbf: {  	[dreg:$0x0] =	wrdreg $0xFFFFFFFF;
	(pc) =	sbr.abs _section_cstart, $3  }
0xc0: {  	[dreg:$0x1] =	wrdreg $0xFFFFFFFF  }
0xc1: {  	_ =	task.clear_ibuf [dreg:s7], $0x2FFFF;
	_ =	strace $0x9FFFFFFF  }
0xc2: {  	(tm) =	ssettm $0x7FFFFFFF  }
0xc3: {  	_ =	shalt  }
tec
execute0_lowered:
.L_overlay_start_1:
0x0: {  	(tag) =	ssettag $0x1  }
0x1: {  	s1 =	srdreg.scid;
	s5 =	rddreg [dreg:$0x0]  }
0x2: {  	s0 =	stileid.u32;
	s2 =	rddreg [dreg:$0x1];
	s6 =	simm.s32 $0x1  }
0x3: {  	s9 =	simm.s32 $0x1;
	s10 =	simm.s32 $0x3;
	s1 =	sshll.u32 s1, $0x8  }
0x4: {  	s13 =	simm.s32 $0x0;
	s3 =	sshll.u32 s0, $0x9;
	s4 =	sand.u32 $0x100, s1  }
0x5: {  	s12 =	simm.s32 $0x0;
	s1 =	rddreg [dreg:$0x2];
	s3 =	sor.u32 s3, s4  }
0x6: {  	_ =	strace $0x80000047;
	s4 =	sadd.s32 $0x5400, s5;
	s8 =	ssub.s32 $0x4000, s3  }
.Ltmp0:
0x7: {  	s5 =	sadd.s32 $0x36800, s5;
	s7 =	sand.u32 $0x1F00, s8;
	(pc) =	sbr.rel .LBB2_1-.Ltmp0, $4  }
0x8: {  	[sflag:s6] =	ssyncpa.u1 $0x0;
	s11 =	smov.u32 s3;
	p0 =	sne.s32 s7, $0x0  }
0x9: {  	s8 =	sshrl.u32 s8, $0xD;
	s7 =	simm.s32 $0x2;
	s9 =	simm.s32 @!p0 $0x0  }
0xa: {  	[sflag:s7] =	ssyncpa.u1 $0x0;
	p0 =	por $0x0, $0x0;
	s8 =	sadd.s32 s9, s8  }
0xb: {  	vm0 =	vmmov $0xffff;
	[sflag:s10] =	ssyncpa.u1 $0x0;
	s10 =	simm.s32 $0x0;
	s9 =	sadd.s32 $0x1, s8  }
.LBB2_4:
0xc: {  	v3 =	vshrl.u32 v0, $0xC;
	v62 =	vshll.u32 v0, $0x5;
	v2 =	vand.u32 $0x7FF80, v2  }
0xd: {  	v3 =	vand.u32 $0x3, v3;
	v0 =	vand.u32 $0x80000, v62;
	v2 =	vsel vm1, $0xFFFFFF80, v2  }
0xe: {  	v3 =	vsel vm1, $0xFFFFFFFF, v3;
	v0 =	vsel vm1, $0xFFF80000, v0;
	v4 =	vand.u32 $0xFFFFFC00, v2  }
0xf: {  	v0 =	vadd.s32 v0, v4;
	v63 =	vand.u32 $0xFFFFFC00, v3  }
0x10: {  	v2 =	vand.u32 $0x380, v2;
	v0 =	vadd.s32 v63, v0  }
0x11: {  	v3 =	vand.u32 $0x7F, v3;
	v0 =	vor.u32 v2, v0  }
0x12: {  	v0 =	vor.u32 v3, v0;
	_ =	sdelay $0x1  }
0x13: {  	(ifvalue) =	ssetifvalue $0x7FFFFFFF;
	s15 =	sadd.s32 $0x10, s15  }
0x14: {  	[tilespmem:s15], [sflag:$0x1] =	stream.indirect_vreg.gather [hbm4b:s4+s10], $0x1, v1, vm0, $0x4038;
	[tilespmem:$0x400] =	vst v63  }
0x15: {  	(ifvalue) =	ssetifvalue $0x7FFFFFFF;
	s15 =	sadd.s32 $0x10, s15  }
0x16: {  	[tilespmem:s15], [sflag:$0x1] =	stream.indirect_vreg.gather [hbm4b:s4+s10], $0x1, v0, vm0, $0x4038;
	[tilespmem:$0x400] =	vst v63  }
0x17: {  	_ =	swait.ge [sflag:s6], $0x100  }
0x18: {  	s30 =	sshrl.u32 s13, $0x3;
	[sflag:s6] =	ssyncset.done $0x0  }
0x19: {  	s31 =	sand.u32 $0x7, s13;
	s15 =	sadd.s32 s5, s30;
	[sflag:s6] =	ssyncadd.s32 $0xFFFFFF00  }
0x1a: {  	[hbm4b:s15+s31] =	stream.linear.scatter [tilespmem:s14], [sflag:$0x3], $0x100, $0x38;
	[tilespmem:$0x400] =	vst v63  }
.LBB2_5:
0x1b: {  	s15 =	sadd.s32 $0x2000, s11  }
0x1c: {  	p2 =	sgt.s32 s15, $0x3FFF  }
0x1d: {  	s15 =	smov.u32 @p2 s3;
	p2 =	sne.s32 s12, s9  }
.Ltmp1:
0x1e: {  	p1 =	slt.u32 s12, $0x2;
	(pc) =	sbr.rel @!p2 .LBB2_6-.Ltmp1, $4  }
0x1f: {  	s14 =	simm.s32 @!p1 $0x3  }
0x20: {  	s16 =	sadd.s32 $0x1, s12;
	_ =	swait.ge @!p1 [sflag:s14], $0x100  }
0x21: {  	s13 =	smov.u32 s11;
	p0 =	por !p0, !p0;
	[sflag:s14] =	ssyncset.done @!p1 $0x0  }
0x22: {  	s12 =	smov.u32 s16;
	s11 =	smov.u32 s15;
	[sflag:s14] =	ssyncadd.s32 @!p1 $0xFFFFFF00  }
.LBB2_1:
0x23: {  	p1 =	sge.u32 s12, s8  }
0x24: {  	s14 =	sxor.u32 @!p1 $0xFFFFFFFF, s12  }
0x25: {  	s31 =	sadd.s32 $0xFFFFFFFF, s12;
	s15 =	sshrl.u32 @!p1 s11, $0x3;
	s14 =	sshll.u32 @!p1 s14, $0x8  }
0x26: {  	s16 =	sand.u32 @!p1 $0x7, s11;
	s15 =	sadd.s32 @!p1 s2, s15;
	s14 =	sand.u32 @!p1 $0x100, s14  }
0x27: {  	[tilespmem:s14], [sflag:$0x2] =	stream.linear.gather @!p1 [hbm4b:s15+s16], $0x100, $0x38;
	[tilespmem:$0x400] =	vst v63  }
0x28: {  	p1 =	sge.u32 s31, s8  }
.Ltmp2:
0x29: {  	_ = 	snop;
	(pc) =	sbr.rel @p1 .LBB2_5-.Ltmp2, $1  }
0x2a: {  	_ =	sdelay $0x3  }
0x2b: {  	s14 =	simm.s32 $0x1  }
0x2c: {  	_ =	swait.ge [sflag:s7], $0x100;
	s14 =	simm.s32 @!p0 $0x0  }
0x2d: {  	[sflag:s7] =	ssyncset.done $0x0;
	s14 =	sshll.u32 s14, $0x8  }
0x2e: {  	[sflag:s7] =	ssyncadd.s32 $0xFFFFFF00;
	(ifvalue) =	ssetifvalue $0x7FFFFFFF;
	v0 =	vld.msk [tilespmem:s14+$0x0 ss:$0x1], $0xffff;
	_ =	sdelay $0x2  }
0x2f: {  	s15 =	sadd.s32 $0x10, s14  }
0x30: {  	v3 =	vld.msk [tilespmem:s15+$0x0 ss:$0x1], $0xffff  }
0x31: {  	vm1 =	veq.s32 v0, $0x80000000;
	v1 =	vshll.u32 v0, $0x7  }
0x32: {  	v2 =	vshrl.u32 v0, $0xC;
	v0 =	vshll.u32 v0, $0x5;
	v1 =	vand.u32 $0x7FF80, v1  }
0x33: {  	v2 =	vand.u32 $0x3, v2;
	v0 =	vand.u32 $0x80000, v0;
	v1 =	vsel vm1, $0xFFFFFF80, v1  }
0x34: {  	v2 =	vsel vm1, $0xFFFFFFFF, v2;
	v0 =	vsel vm1, $0xFFF80000, v0;
	v4 =	vand.u32 $0xFFFFFC00, v1  }
0x35: {  	v62 =	vshrl.u32 v3, $0xC;
	v61 =	vand.u32 $0xFFFFFC00, v2;
	v0 =	vadd.s32 v0, v4  }
0x36: {  	vm1 =	veq.s32 v3, $0x80000000;
	v1 =	vand.u32 $0x380, v1;
	v0 =	vadd.s32 v61, v0  }
0x37: {  	v2 =	vand.u32 $0x7F, v2;
	v0 =	vor.u32 v1, v0;
	v1 =	vshll.u32 v3, $0x7  }
0x38: {  	s17 =	sadd.s32 $0x10, s15;
	v4 =	vand.u32 $0x3, v62;
	v3 =	vshll.u32 v3, $0x5;
	v1 =	vand.u32 $0x7FF80, v1  }
0x39: {  	v2 =	vor.u32 v2, v0;
	v0 =	vld.msk [tilespmem:s17+$0x0 ss:$0x1], $0xffff;
	v3 =	vand.u32 $0x80000, v3;
	v1 =	vsel vm1, $0xFFFFFF80, v1  }
0x3a: {  	v4 =	vsel vm1, $0xFFFFFFFF, v4;
	v3 =	vsel vm1, $0xFFF80000, v3;
	v5 =	vand.u32 $0xFFFFFC00, v1  }
0x3b: {  	s31 =	sshll.u32 s12, $0x8;
	v63 =	vand.u32 $0xFFFFFC00, v4;
	v3 =	vadd.s32 v3, v5  }
0x3c: {  	s16 =	simm.s32 $0x20;
	s15 =	sor.u32 $0x200, s14;
	s14 =	sand.u32 $0x100, s31;
	v1 =	vand.u32 $0x380, v1;
	v3 =	vadd.s32 v63, v3  }
0x3d: {  	s14 =	sor.u32 $0x200, s14;
	v4 =	vand.u32 $0x7F, v4;
	(ifvalue) =	ssetifvalue $0x7FFFFFFF;
	s17 =	sadd.s32 $0x10, s17;
	v1 =	vor.u32 v1, v3  }
0x3e: {  	[tilespmem:s15], [sflag:$0x1] =	stream.indirect_vreg.gather [hbm4b:s4+s10], $0x1, v2, vm0, $0x4038;
	vm1 =	veq.s32 v0, $0x80000000;
	v2 =	vshll.u32 v0, $0x7;
	v1 =	vor.u32 v4, v1;
	[tilespmem:$0x400] =	vst v63  }
.LBB2_3:
0x3f: {  	s16 =	sadd.s32 $0x10, s16;
	v3 =	vshrl.u32 v0, $0xC;
	v4 =	vshll.u32 v0, $0x5;
	v0 =	vld.msk [tilespmem:s17+$0x0 ss:$0x1], $0xffff;
	v2 =	vand.u32 $0x7FF80, v2  }
0x40: {  	p1 =	slt.u32 s16, $0xF0;
	v3 =	vand.u32 $0x3, v3;
	v4 =	vand.u32 $0x80000, v4;
	v2 =	vsel vm1, $0xFFFFFF80, v2  }
.Ltmp3:
0x41: {  	v3 =	vsel vm1, $0xFFFFFFFF, v3;
	v4 =	vsel vm1, $0xFFF80000, v4;
	v5 =	vand.u32 $0xFFFFFC00, v2;
	(pc) =	sbr.rel @p1 .LBB2_3-.Ltmp3, $4  }
0x42: {  	s15 =	sadd.s32 $0x10, s15;
	v4 =	vadd.s32 v4, v5;
	v5 =	vand.u32 $0xFFFFFC00, v3;
	(ifvalue) =	ssetifvalue $0x7FFFFFFF  }
0x43: {  	v2 =	vand.u32 $0x380, v2;
	v4 =	vadd.s32 v5, v4;
	[tilespmem:s15], [sflag:$0x1] =	stream.indirect_vreg.gather [hbm4b:s4+s10], $0x1, v1, vm0, $0x4038;
	[tilespmem:$0x400] =	vst v63  }
0x44: {  	v1 =	vand.u32 $0x7F, v3;
	v3 =	vor.u32 v2, v4  }
0x45: {  	s17 =	sadd.s32 $0x10, s17;
	vm1 =	veq.s32 v0, $0x80000000;
	v2 =	vshll.u32 v0, $0x7;
	v1 =	vor.u32 v1, v3  }
.Ltmp4:
0x46: {  	_ = 	snop;
	(pc) =	sbr.rel .LBB2_4-.Ltmp4, $1  }
0x47: {  	_ =	sdelay $0x3  }
.LBB2_6:
0x48: {  	_ =	sfence.sel $0x180000  }
0x49: {  	s2 =	simm.s32 $0x2;
	[bflag:$0x0] =	sbarrier.arrive $0xFFFF  }
0x4a: {  	s30 =	simm.s32 $0x3;
	[sflag:s2] =	ssyncpa.u1 $0x1  }
0x4b: {  	s31 =	simm.s32 $0x1;
	[sflag:s30] =	ssyncpa.u1 $0x1  }
0x4c: {  	[sflag:s31] =	ssyncpa.u1 $0x1  }
0x4d: {  	p0 =	sne.s32 s0, $0x0;
	_ =	strace $0x90000047  }
0x4e: {  	s0 =	sadd.s32 @!p0 $0x100000, s1;
	[bflag:$0x2] =	sbarrier.arrive $0xFFFF  }
0x4f: {  	[sflag:s0] =	ssyncadd.tile.s32 @!p0 $0x1;
	_ =	shalt  }
.Lfunc_end2:
_tile_overlayer_lowered:
.L_overlay_start_2:
0x50: {  	(tag) =	ssettag $0x2  }
0x51: {  	s0 =	rddreg [dreg:$0x0];
	s2 =	stileid.u32  }
0x52: {  	s1 =	rddreg [dreg:$0x1];
	p0 =	sne.s32 s2, $0x0  }
0x53: {  	s3 =	rddreg [dreg:$0x2];
	[bflag:$0x3] =	sbarrier.arrive $0xFFFF;
	s2 =	simm.s32 @!p0 $0x1C01  }
0x54: {  	[timem:s3], [sflag:s2] =	dma.local @!p0 [hbm:s0], s1  }
0x55: {  	s0 =	simm.s32 @!p0 $0x1  }
0x56: {  	_ =	swait.ge @!p0 [sflag:s0], s1  }
0x57: {  	s1 =	ssub.s32 @!p0 $0x0, s1;
	[sflag:s0] =	ssyncset.done @!p0 $0x0  }
0x58: {  	[sflag:s0] =	ssyncadd.s32 @!p0 s1  }
0x59: {  	[bflag:$0x3] =	sbarrier.arrive $0xFFFF  }
0x5a: {  	_ =	shalt  }

</sc_bundles>
